<compile_context>
chip_gen: v7x
topology: tpu7x:2x2x1
jax: 0.10.2.dev20260603
libtpu: 0.0.44.dev20260713+nightly
codegen_flags: <defaults>
</compile_context>

<pallas_src>
import jax
import jax.numpy as jnp
from jax import lax
from jax.experimental import pallas as pl
from jax.experimental.pallas import tpu as pltpu, tpu_sc as plsc

BATCH = 16384
EMBED_K = 128
CHUNK = 128
NBUF = 7

CHUNK_PLAN = (
    (0, 0, 128), (0, 128, 128), (0, 256, 128), (0, 384, 128),
    (1, 0, 128), (1, 128, 128), (1, 256, 128), (1, 384, 96), (1, 480, 32),
)

_info = plsc.get_sparse_core_info()
NC, NS = _info.num_cores, _info.num_subcores
NW = NC * NS
B_PER_W = BATCH // NW
CHUNKS_PER_W = B_PER_W // CHUNK

_mesh = plsc.VectorSubcoreMesh(core_axis_name="c", subcore_axis_name="s")


@jax.jit
def _gather2(user_idx, item_idx, user_table, item_table):
    @pl.kernel(
        mesh=_mesh,
        out_type=(
            jax.ShapeDtypeStruct((BATCH, EMBED_K), jnp.float32),
            jax.ShapeDtypeStruct((BATCH, EMBED_K), jnp.float32),
        ),
        scratch_types=[
            pltpu.VMEM((B_PER_W,), jnp.int32),
            pltpu.VMEM((B_PER_W,), jnp.int32),
            pltpu.VMEM((NBUF, CHUNK, EMBED_K), jnp.float32),
            pltpu.SemaphoreType.DMA((NBUF,)),
            pltpu.SemaphoreType.DMA((NBUF,)),
            pltpu.SemaphoreType.DMA,
        ],
    )
    def k(uidx_hbm, iidx_hbm, utab_hbm, itab_hbm, uout_hbm, iout_hbm,
          idx_u, idx_i, rows, gsem, osem, isem):
        wid = lax.axis_index("s") * NC + lax.axis_index("c")
        base = wid * B_PER_W
        iu = pltpu.async_copy(uidx_hbm.at[pl.ds(base, B_PER_W)], idx_u, isem)
        ii = pltpu.async_copy(iidx_hbm.at[pl.ds(base, B_PER_W)], idx_i, isem)
        iu.wait()
        ii.wait()

        def fire_gather(c, buf):
            tab, off, size = CHUNK_PLAN[c]
            j = idx_u if tab == 0 else idx_i
            src = (utab_hbm if tab == 0 else itab_hbm).at[
                j.at[pl.ds(off, size)]]
            return pltpu.async_copy(src, rows.at[buf, pl.ds(0, size)],
                                    gsem.at[buf])

        def fire_out(c, buf):
            tab, off, size = CHUNK_PLAN[c]
            out = uout_hbm if tab == 0 else iout_hbm
            dst = out.at[pl.ds(base + off, size)]
            return pltpu.async_copy(rows.at[buf, pl.ds(0, size)], dst,
                                    osem.at[buf])

        nchunks = len(CHUNK_PLAN)
        gathers = [fire_gather(c, c % NBUF) for c in range(min(NBUF, nchunks))]
        outs = [None] * nchunks
        for c in range(nchunks):
            buf = c % NBUF
            gathers[buf].wait()
            outs[c] = fire_out(c, buf)
            if c + NBUF < nchunks:
                outs[c].wait()
                gathers[buf] = fire_gather(c + NBUF, buf)
        for c in range(max(0, nchunks - NBUF), nchunks):
            outs[c].wait()

    return k(user_idx, item_idx, user_table, item_table)


def kernel(x, user_table, item_table):
    return _gather2(x[:, 0], x[:, 1], user_table, item_table)

# --- scband reference (transcript-rebuilt; emitter-appended) ---
"""Pipeline reference for scband-mf-36481452212790 (READ-ONLY COPY).

The authoritative reference and input builder live on the scoring server;
editing this copy changes nothing except your own understanding.
"""

import jax, jax.numpy as jnp
import numpy as np

NUM_USERS = 100000
NUM_ITEMS = 100000
EMBED_K = 128
BATCH = 16384

def setup_inputs(seed: int = 0) -> dict:
    key = jax.random.key(seed)
    k1, k2, k3 = jax.random.split(key, 3)
    x = jax.random.randint(k1, (BATCH, 2), 0, NUM_USERS, dtype=jnp.int64) if jax.config.jax_enable_x64 else jax.random.randint(k1, (BATCH, 2), 0, NUM_USERS, dtype=jnp.int32)
    user_table = jax.random.normal(k2, (NUM_USERS, EMBED_K), dtype=jnp.float32) * 0.1
    item_table = jax.random.normal(k3, (NUM_ITEMS, EMBED_K), dtype=jnp.float32) * 0.1
    return {"x": x, "user_table": user_table, "item_table": item_table}

def reference(x, user_table, item_table):
    user_idx = x[:, 0]
    item_idx = x[:, 1]
    user_embed = jnp.take(user_table, user_idx, axis=0)
    item_embed = jnp.take(item_table, item_idx, axis=0)
    return (user_embed, item_embed)

if __name__ == "__main__":
    import jax
    _d = setup_inputs()
    print(jax.jit(kernel)(*tuple(_d.values())))

</pallas_src>

<mosaic_0001>
#map = affine_map<(d0, d1) -> (0)>
#map1 = affine_map<(d0, d1) -> (0, 0)>
module attributes {stable_mosaic.version = 14 : i64} {
  func.func @k(%arg0: i32, %arg1: i32, %arg2: memref<16384xi32, #tpu.memory_space<hbm>>, %arg3: memref<16384xi32, #tpu.memory_space<hbm>>, %arg4: memref<100000x128xf32, #tpu.memory_space<hbm>>, %arg5: memref<100000x128xf32, #tpu.memory_space<hbm>>, %arg6: memref<16384x128xf32, #tpu.memory_space<hbm>>, %arg7: memref<16384x128xf32, #tpu.memory_space<hbm>>, %arg8: memref<512xi32, #tpu.memory_space<vmem>>, %arg9: memref<512xi32, #tpu.memory_space<vmem>>, %arg10: memref<7x128x128xf32, #tpu.memory_space<vmem>>, %arg11: memref<7x!tpu.dma_semaphore, #tpu.memory_space<semaphore_mem>>, %arg12: memref<7x!tpu.dma_semaphore, #tpu.memory_space<semaphore_mem>>, %arg13: memref<!tpu.dma_semaphore, #tpu.memory_space<semaphore_mem>>) attributes {dimension_semantics = [#tpu.dimension_semantics<core_parallel>, #tpu.dimension_semantics<subcore_parallel>], iteration_bounds = array<i64: 2, 16>, scalar_prefetch = 0 : i64, scratch_operands = 6 : i64, tpu.core_type = #tpu.core_type<sc_vector_subcore>, window_params = [{transform_indices = #map}, {transform_indices = #map}, {transform_indices = #map1}, {transform_indices = #map1}, {transform_indices = #map1}, {transform_indices = #map1}]} {
    %mul3A = arith.constant 2 : i32
    %mul3A_0 = arith.muli %arg1, %mul3A : i32
    %add3A = arith.addi %mul3A_0, %arg0 : i32
    %mul3A_1 = arith.constant 512 : i32
    %mul3A_2 = arith.muli %add3A, %mul3A_1 : i32
    %dma_start3A = tpu.memref_slice %arg2[%mul3A_2] : memref<16384xi32, #tpu.memory_space<hbm>> -> memref<512xi32, #tpu.memory_space<hbm>>
    %dma_start3A_3 = tpu.memref_slice %arg2[%mul3A_2] : memref<16384xi32, #tpu.memory_space<hbm>> -> memref<512xi32, #tpu.memory_space<hbm>>
    tpu.enqueue_dma source(%dma_start3A_3 : memref<512xi32, #tpu.memory_space<hbm>>) target(%arg8 : memref<512xi32, #tpu.memory_space<vmem>>) target_semaphore(%arg13 : memref<!tpu.dma_semaphore, #tpu.memory_space<semaphore_mem>>)
    %dma_start3A_4 = tpu.memref_slice %arg3[%mul3A_2] : memref<16384xi32, #tpu.memory_space<hbm>> -> memref<512xi32, #tpu.memory_space<hbm>>
    %dma_start3A_5 = tpu.memref_slice %arg3[%mul3A_2] : memref<16384xi32, #tpu.memory_space<hbm>> -> memref<512xi32, #tpu.memory_space<hbm>>
    tpu.enqueue_dma source(%dma_start3A_5 : memref<512xi32, #tpu.memory_space<hbm>>) target(%arg9 : memref<512xi32, #tpu.memory_space<vmem>>) target_semaphore(%arg13 : memref<!tpu.dma_semaphore, #tpu.memory_space<semaphore_mem>>)
    %dma_wait3A = tpu.memref_slice %arg2[%mul3A_2] : memref<16384xi32, #tpu.memory_space<hbm>> -> memref<512xi32, #tpu.memory_space<hbm>>
    %dma_wait3A_6 = tpu.memref_slice %arg2[%mul3A_2] : memref<16384xi32, #tpu.memory_space<hbm>> -> memref<512xi32, #tpu.memory_space<hbm>>
    tpu.wait_dma2 semaphore(%arg13 : memref<!tpu.dma_semaphore, #tpu.memory_space<semaphore_mem>>) src(%dma_wait3A_6 : memref<512xi32, #tpu.memory_space<hbm>>) dst(%arg8 : memref<512xi32, #tpu.memory_space<vmem>>)
    %dma_wait3A_7 = tpu.memref_slice %arg3[%mul3A_2] : memref<16384xi32, #tpu.memory_space<hbm>> -> memref<512xi32, #tpu.memory_space<hbm>>
    %dma_wait3A_8 = tpu.memref_slice %arg3[%mul3A_2] : memref<16384xi32, #tpu.memory_space<hbm>> -> memref<512xi32, #tpu.memory_space<hbm>>
    tpu.wait_dma2 semaphore(%arg13 : memref<!tpu.dma_semaphore, #tpu.memory_space<semaphore_mem>>) src(%dma_wait3A_8 : memref<512xi32, #tpu.memory_space<hbm>>) dst(%arg9 : memref<512xi32, #tpu.memory_space<vmem>>)
    %dma_start3A_9 = arith.constant 0 : i32
    %dma_start3A_10 = arith.constant 0 : i32
    %dma_start3A_11 = arith.constant 0 : i32
    %dma_start3A_12 = arith.constant 0 : i32
    %dma_start3A_13 = tpu.memref_slice %arg10[%dma_start3A_9, %dma_start3A_11, %dma_start3A_12] : memref<7x128x128xf32, #tpu.memory_space<vmem>> -> memref<1x128x128xf32, #tpu.memory_space<vmem>>
    %dma_start3A_14 = tpu.memref_squeeze %dma_start3A_13 : memref<1x128x128xf32, #tpu.memory_space<vmem>> -> memref<128x128xf32, #tpu.memory_space<vmem>>
    %dma_start3A_15 = arith.constant 0 : i32
    %dma_start3A_16 = tpu.memref_slice %arg8[%dma_start3A_15] : memref<512xi32, #tpu.memory_space<vmem>> -> memref<128xi32, #tpu.memory_space<vmem>>
    %dma_start3A_17 = arith.constant 0 : i32
    %dma_start3A_18 = arith.constant 0 : i32
    %dma_start3A_19 = tpu.memref_slice %arg4[%dma_start3A_17, %dma_start3A_18] : memref<100000x128xf32, #tpu.memory_space<hbm>> -> memref<100000x128xf32, #tpu.memory_space<hbm>>
    %dma_start3A_20 = tpu.memref_slice %arg11[%dma_start3A_10] : memref<7x!tpu.dma_semaphore, #tpu.memory_space<semaphore_mem>> -> memref<1x!tpu.dma_semaphore, #tpu.memory_space<semaphore_mem>>
    %dma_start3A_21 = tpu.memref_squeeze %dma_start3A_20 : memref<1x!tpu.dma_semaphore, #tpu.memory_space<semaphore_mem>> -> memref<!tpu.dma_semaphore, #tpu.memory_space<semaphore_mem>>
    tpu.enqueue_indirect_dma source(%dma_start3A_19 : memref<100000x128xf32, #tpu.memory_space<hbm>>) target(%dma_start3A_14 : memref<128x128xf32, #tpu.memory_space<vmem>>) offsets(%dma_start3A_16 : memref<128xi32, #tpu.memory_space<vmem>>) semaphore(%dma_start3A_21 : memref<!tpu.dma_semaphore, #tpu.memory_space<semaphore_mem>>)
    %dma_start3A_22 = arith.constant 1 : i32
    %dma_start3A_23 = arith.constant 1 : i32
    %dma_start3A_24 = arith.constant 0 : i32
    %dma_start3A_25 = arith.constant 0 : i32
    %dma_start3A_26 = tpu.memref_slice %arg10[%dma_start3A_22, %dma_start3A_24, %dma_start3A_25] : memref<7x128x128xf32, #tpu.memory_space<vmem>> -> memref<1x128x128xf32, #tpu.memory_space<vmem>>
    %dma_start3A_27 = tpu.memref_squeeze %dma_start3A_26 : memref<1x128x128xf32, #tpu.memory_space<vmem>> -> memref<128x128xf32, #tpu.memory_space<vmem>>
    %dma_start3A_28 = arith.constant 128 : i32
    %dma_start3A_29 = tpu.memref_slice %arg8[%dma_start3A_28] : memref<512xi32, #tpu.memory_space<vmem>> -> memref<128xi32, #tpu.memory_space<vmem>>
    %dma_start3A_30 = arith.constant 0 : i32
    %dma_start3A_31 = arith.constant 0 : i32
    %dma_start3A_32 = tpu.memref_slice %arg4[%dma_start3A_30, %dma_start3A_31] : memref<100000x128xf32, #tpu.memory_space<hbm>> -> memref<100000x128xf32, #tpu.memory_space<hbm>>
    %dma_start3A_33 = tpu.memref_slice %arg11[%dma_start3A_23] : memref<7x!tpu.dma_semaphore, #tpu.memory_space<semaphore_mem>> -> memref<1x!tpu.dma_semaphore, #tpu.memory_space<semaphore_mem>>
    %dma_start3A_34 = tpu.memref_squeeze %dma_start3A_33 : memref<1x!tpu.dma_semaphore, #tpu.memory_space<semaphore_mem>> -> memref<!tpu.dma_semaphore, #tpu.memory_space<semaphore_mem>>
    tpu.enqueue_indirect_dma source(%dma_start3A_32 : memref<100000x128xf32, #tpu.memory_space<hbm>>) target(%dma_start3A_27 : memref<128x128xf32, #tpu.memory_space<vmem>>) offsets(%dma_start3A_29 : memref<128xi32, #tpu.memory_space<vmem>>) semaphore(%dma_start3A_34 : memref<!tpu.dma_semaphore, #tpu.memory_space<semaphore_mem>>)
    %dma_start3A_35 = arith.constant 2 : i32
    %dma_start3A_36 = arith.constant 2 : i32
    %dma_start3A_37 = arith.constant 0 : i32
    %dma_start3A_38 = arith.constant 0 : i32
    %dma_start3A_39 = tpu.memref_slice %arg10[%dma_start3A_35, %dma_start3A_37, %dma_start3A_38] : memref<7x128x128xf32, #tpu.memory_space<vmem>> -> memref<1x128x128xf32, #tpu.memory_space<vmem>>
    %dma_start3A_40 = tpu.memref_squeeze %dma_start3A_39 : memref<1x128x128xf32, #tpu.memory_space<vmem>> -> memref<128x128xf32, #tpu.memory_space<vmem>>
    %dma_start3A_41 = arith.constant 256 : i32
    %dma_start3A_42 = tpu.memref_slice %arg8[%dma_start3A_41] : memref<512xi32, #tpu.memory_space<vmem>> -> memref<128xi32, #tpu.memory_space<vmem>>
    %dma_start3A_43 = arith.constant 0 : i32
    %dma_start3A_44 = arith.constant 0 : i32
    %dma_start3A_45 = tpu.memref_slice %arg4[%dma_start3A_43, %dma_start3A_44] : memref<100000x128xf32, #tpu.memory_space<hbm>> -> memref<100000x128xf32, #tpu.memory_space<hbm>>
    %dma_start3A_46 = tpu.memref_slice %arg11[%dma_start3A_36] : memref<7x!tpu.dma_semaphore, #tpu.memory_space<semaphore_mem>> -> memref<1x!tpu.dma_semaphore, #tpu.memory_space<semaphore_mem>>
    %dma_start3A_47 = tpu.memref_squeeze %dma_start3A_46 : memref<1x!tpu.dma_semaphore, #tpu.memory_space<semaphore_mem>> -> memref<!tpu.dma_semaphore, #tpu.memory_space<semaphore_mem>>
    tpu.enqueue_indirect_dma source(%dma_start3A_45 : memref<100000x128xf32, #tpu.memory_space<hbm>>) target(%dma_start3A_40 : memref<128x128xf32, #tpu.memory_space<vmem>>) offsets(%dma_start3A_42 : memref<128xi32, #tpu.memory_space<vmem>>) semaphore(%dma_start3A_47 : memref<!tpu.dma_semaphore, #tpu.memory_space<semaphore_mem>>)
    %dma_start3A_48 = arith.constant 3 : i32
    %dma_start3A_49 = arith.constant 3 : i32
    %dma_start3A_50 = arith.constant 0 : i32
    %dma_start3A_51 = arith.constant 0 : i32
    %dma_start3A_52 = tpu.memref_slice %arg10[%dma_start3A_48, %dma_start3A_50, %dma_start3A_51] : memref<7x128x128xf32, #tpu.memory_space<vmem>> -> memref<1x128x128xf32, #tpu.memory_space<vmem>>
    %dma_start3A_53 = tpu.memref_squeeze %dma_start3A_52 : memref<1x128x128xf32, #tpu.memory_space<vmem>> -> memref<128x128xf32, #tpu.memory_space<vmem>>
    %dma_start3A_54 = arith.constant 384 : i32
    %dma_start3A_55 = tpu.memref_slice %arg8[%dma_start3A_54] : memref<512xi32, #tpu.memory_space<vmem>> -> memref<128xi32, #tpu.memory_space<vmem>>
    %dma_start3A_56 = arith.constant 0 : i32
    %dma_start3A_57 = arith.constant 0 : i32
    %dma_start3A_58 = tpu.memref_slice %arg4[%dma_start3A_56, %dma_start3A_57] : memref<100000x128xf32, #tpu.memory_space<hbm>> -> memref<100000x128xf32, #tpu.memory_space<hbm>>
    %dma_start3A_59 = tpu.memref_slice %arg11[%dma_start3A_49] : memref<7x!tpu.dma_semaphore, #tpu.memory_space<semaphore_mem>> -> memref<1x!tpu.dma_semaphore, #tpu.memory_space<semaphore_mem>>
    %dma_start3A_60 = tpu.memref_squeeze %dma_start3A_59 : memref<1x!tpu.dma_semaphore, #tpu.memory_space<semaphore_mem>> -> memref<!tpu.dma_semaphore, #tpu.memory_space<semaphore_mem>>
    tpu.enqueue_indirect_dma source(%dma_start3A_58 : memref<100000x128xf32, #tpu.memory_space<hbm>>) target(%dma_start3A_53 : memref<128x128xf32, #tpu.memory_space<vmem>>) offsets(%dma_start3A_55 : memref<128xi32, #tpu.memory_space<vmem>>) semaphore(%dma_start3A_60 : memref<!tpu.dma_semaphore, #tpu.memory_space<semaphore_mem>>)
    %dma_start3A_61 = arith.constant 4 : i32
    %dma_start3A_62 = arith.constant 4 : i32
    %dma_start3A_63 = arith.constant 0 : i32
    %dma_start3A_64 = arith.constant 0 : i32
    %dma_start3A_65 = tpu.memref_slice %arg10[%dma_start3A_61, %dma_start3A_63, %dma_start3A_64] : memref<7x128x128xf32, #tpu.memory_space<vmem>> -> memref<1x128x128xf32, #tpu.memory_space<vmem>>
    %dma_start3A_66 = tpu.memref_squeeze %dma_start3A_65 : memref<1x128x128xf32, #tpu.memory_space<vmem>> -> memref<128x128xf32, #tpu.memory_space<vmem>>
    %dma_start3A_67 = arith.constant 0 : i32
    %dma_start3A_68 = tpu.memref_slice %arg9[%dma_start3A_67] : memref<512xi32, #tpu.memory_space<vmem>> -> memref<128xi32, #tpu.memory_space<vmem>>
    %dma_start3A_69 = arith.constant 0 : i32
    %dma_start3A_70 = arith.constant 0 : i32
    %dma_start3A_71 = tpu.memref_slice %arg5[%dma_start3A_69, %dma_start3A_70] : memref<100000x128xf32, #tpu.memory_space<hbm>> -> memref<100000x128xf32, #tpu.memory_space<hbm>>
    %dma_start3A_72 = tpu.memref_slice %arg11[%dma_start3A_62] : memref<7x!tpu.dma_semaphore, #tpu.memory_space<semaphore_mem>> -> memref<1x!tpu.dma_semaphore, #tpu.memory_space<semaphore_mem>>
    %dma_start3A_73 = tpu.memref_squeeze %dma_start3A_72 : memref<1x!tpu.dma_semaphore, #tpu.memory_space<semaphore_mem>> -> memref<!tpu.dma_semaphore, #tpu.memory_space<semaphore_mem>>
    tpu.enqueue_indirect_dma source(%dma_start3A_71 : memref<100000x128xf32, #tpu.memory_space<hbm>>) target(%dma_start3A_66 : memref<128x128xf32, #tpu.memory_space<vmem>>) offsets(%dma_start3A_68 : memref<128xi32, #tpu.memory_space<vmem>>) semaphore(%dma_start3A_73 : memref<!tpu.dma_semaphore, #tpu.memory_space<semaphore_mem>>)
    %dma_start3A_74 = arith.constant 5 : i32
    %dma_start3A_75 = arith.constant 5 : i32
    %dma_start3A_76 = arith.constant 0 : i32
    %dma_start3A_77 = arith.constant 0 : i32
    %dma_start3A_78 = tpu.memref_slice %arg10[%dma_start3A_74, %dma_start3A_76, %dma_start3A_77] : memref<7x128x128xf32, #tpu.memory_space<vmem>> -> memref<1x128x128xf32, #tpu.memory_space<vmem>>
    %dma_start3A_79 = tpu.memref_squeeze %dma_start3A_78 : memref<1x128x128xf32, #tpu.memory_space<vmem>> -> memref<128x128xf32, #tpu.memory_space<vmem>>
    %dma_start3A_80 = arith.constant 128 : i32
    %dma_start3A_81 = tpu.memref_slice %arg9[%dma_start3A_80] : memref<512xi32, #tpu.memory_space<vmem>> -> memref<128xi32, #tpu.memory_space<vmem>>
    %dma_start3A_82 = arith.constant 0 : i32
    %dma_start3A_83 = arith.constant 0 : i32
    %dma_start3A_84 = tpu.memref_slice %arg5[%dma_start3A_82, %dma_start3A_83] : memref<100000x128xf32, #tpu.memory_space<hbm>> -> memref<100000x128xf32, #tpu.memory_space<hbm>>
    %dma_start3A_85 = tpu.memref_slice %arg11[%dma_start3A_75] : memref<7x!tpu.dma_semaphore, #tpu.memory_space<semaphore_mem>> -> memref<1x!tpu.dma_semaphore, #tpu.memory_space<semaphore_mem>>
    %dma_start3A_86 = tpu.memref_squeeze %dma_start3A_85 : memref<1x!tpu.dma_semaphore, #tpu.memory_space<semaphore_mem>> -> memref<!tpu.dma_semaphore, #tpu.memory_space<semaphore_mem>>
    tpu.enqueue_indirect_dma source(%dma_start3A_84 : memref<100000x128xf32, #tpu.memory_space<hbm>>) target(%dma_start3A_79 : memref<128x128xf32, #tpu.memory_space<vmem>>) offsets(%dma_start3A_81 : memref<128xi32, #tpu.memory_space<vmem>>) semaphore(%dma_start3A_86 : memref<!tpu.dma_semaphore, #tpu.memory_space<semaphore_mem>>)
    %dma_start3A_87 = arith.constant 6 : i32
    %dma_start3A_88 = arith.constant 6 : i32
    %dma_start3A_89 = arith.constant 0 : i32
    %dma_start3A_90 = arith.constant 0 : i32
    %dma_start3A_91 = tpu.memref_slice %arg10[%dma_start3A_87, %dma_start3A_89, %dma_start3A_90] : memref<7x128x128xf32, #tpu.memory_space<vmem>> -> memref<1x128x128xf32, #tpu.memory_space<vmem>>
    %dma_start3A_92 = tpu.memref_squeeze %dma_start3A_91 : memref<1x128x128xf32, #tpu.memory_space<vmem>> -> memref<128x128xf32, #tpu.memory_space<vmem>>
    %dma_start3A_93 = arith.constant 256 : i32
    %dma_start3A_94 = tpu.memref_slice %arg9[%dma_start3A_93] : memref<512xi32, #tpu.memory_space<vmem>> -> memref<128xi32, #tpu.memory_space<vmem>>
    %dma_start3A_95 = arith.constant 0 : i32
    %dma_start3A_96 = arith.constant 0 : i32
    %dma_start3A_97 = tpu.memref_slice %arg5[%dma_start3A_95, %dma_start3A_96] : memref<100000x128xf32, #tpu.memory_space<hbm>> -> memref<100000x128xf32, #tpu.memory_space<hbm>>
    %dma_start3A_98 = tpu.memref_slice %arg11[%dma_start3A_88] : memref<7x!tpu.dma_semaphore, #tpu.memory_space<semaphore_mem>> -> memref<1x!tpu.dma_semaphore, #tpu.memory_space<semaphore_mem>>
    %dma_start3A_99 = tpu.memref_squeeze %dma_start3A_98 : memref<1x!tpu.dma_semaphore, #tpu.memory_space<semaphore_mem>> -> memref<!tpu.dma_semaphore, #tpu.memory_space<semaphore_mem>>
    tpu.enqueue_indirect_dma source(%dma_start3A_97 : memref<100000x128xf32, #tpu.memory_space<hbm>>) target(%dma_start3A_92 : memref<128x128xf32, #tpu.memory_space<vmem>>) offsets(%dma_start3A_94 : memref<128xi32, #tpu.memory_space<vmem>>) semaphore(%dma_start3A_99 : memref<!tpu.dma_semaphore, #tpu.memory_space<semaphore_mem>>)
    %dma_wait3A_100 = arith.constant 0 : i32
    %dma_wait3A_101 = arith.constant 0 : i32
    %dma_wait3A_102 = arith.constant 0 : i32
    %dma_wait3A_103 = arith.constant 0 : i32
    %dma_wait3A_104 = tpu.memref_slice %arg10[%dma_wait3A_100, %dma_wait3A_102, %dma_wait3A_103] : memref<7x128x128xf32, #tpu.memory_space<vmem>> -> memref<1x128x128xf32, #tpu.memory_space<vmem>>
    %dma_wait3A_105 = tpu.memref_squeeze %dma_wait3A_104 : memref<1x128x128xf32, #tpu.memory_space<vmem>> -> memref<128x128xf32, #tpu.memory_space<vmem>>
    %dma_wait3A_106 = arith.constant 0 : i32
    %dma_wait3A_107 = tpu.memref_slice %arg8[%dma_wait3A_106] : memref<512xi32, #tpu.memory_space<vmem>> -> memref<128xi32, #tpu.memory_space<vmem>>
    %dma_wait3A_108 = arith.constant 0 : i32
    %dma_wait3A_109 = arith.constant 0 : i32
    %dma_wait3A_110 = tpu.memref_slice %arg4[%dma_wait3A_108, %dma_wait3A_109] : memref<100000x128xf32, #tpu.memory_space<hbm>> -> memref<100000x128xf32, #tpu.memory_space<hbm>>
    %dma_wait3A_111 = tpu.memref_slice %arg11[%dma_wait3A_101] : memref<7x!tpu.dma_semaphore, #tpu.memory_space<semaphore_mem>> -> memref<1x!tpu.dma_semaphore, #tpu.memory_space<semaphore_mem>>
    %dma_wait3A_112 = tpu.memref_squeeze %dma_wait3A_111 : memref<1x!tpu.dma_semaphore, #tpu.memory_space<semaphore_mem>> -> memref<!tpu.dma_semaphore, #tpu.memory_space<semaphore_mem>>
    tpu.wait_indirect_dma semaphore(%dma_wait3A_112 : memref<!tpu.dma_semaphore, #tpu.memory_space<semaphore_mem>>) src(%dma_wait3A_110 : memref<100000x128xf32, #tpu.memory_space<hbm>>) dst(%dma_wait3A_105 : memref<128x128xf32, #tpu.memory_space<vmem>>)
    %add3A_113 = arith.constant 0 : i32
    %add3A_114 = arith.addi %mul3A_2, %add3A_113 : i32
    %dma_start3A_115 = arith.constant 0 : i32
    %dma_start3A_116 = arith.constant 0 : i32
    %dma_start3A_117 = arith.constant 0 : i32
    %dma_start3A_118 = arith.constant 0 : i32
    %dma_start3A_119 = tpu.memref_slice %arg10[%dma_start3A_115, %dma_start3A_117, %dma_start3A_118] : memref<7x128x128xf32, #tpu.memory_space<vmem>> -> memref<1x128x128xf32, #tpu.memory_space<vmem>>
    %dma_start3A_120 = tpu.memref_squeeze %dma_start3A_119 : memref<1x128x128xf32, #tpu.memory_space<vmem>> -> memref<128x128xf32, #tpu.memory_space<vmem>>
    %dma_start3A_121 = arith.constant 0 : i32
    %dma_start3A_122 = tpu.memref_slice %arg6[%add3A_114, %dma_start3A_121] : memref<16384x128xf32, #tpu.memory_space<hbm>> -> memref<128x128xf32, #tpu.memory_space<hbm>>
    %dma_start3A_123 = tpu.memref_slice %arg12[%dma_start3A_116] : memref<7x!tpu.dma_semaphore, #tpu.memory_space<semaphore_mem>> -> memref<1x!tpu.dma_semaphore, #tpu.memory_space<semaphore_mem>>
    %dma_start3A_124 = tpu.memref_squeeze %dma_start3A_123 : memref<1x!tpu.dma_semaphore, #tpu.memory_space<semaphore_mem>> -> memref<!tpu.dma_semaphore, #tpu.memory_space<semaphore_mem>>
    %dma_start3A_125 = arith.constant 0 : i32
    %dma_start3A_126 = tpu.memref_slice %arg6[%add3A_114, %dma_start3A_125] : memref<16384x128xf32, #tpu.memory_space<hbm>> -> memref<128x128xf32, #tpu.memory_space<hbm>>
    %dma_start3A_127 = arith.constant 0 : i32
    %dma_start3A_128 = arith.constant 0 : i32
    %dma_start3A_129 = tpu.memref_slice %arg10[%dma_start3A_115, %dma_start3A_127, %dma_start3A_128] : memref<7x128x128xf32, #tpu.memory_space<vmem>> -> memref<1x128x128xf32, #tpu.memory_space<vmem>>
    %dma_start3A_130 = tpu.memref_squeeze %dma_start3A_129 : memref<1x128x128xf32, #tpu.memory_space<vmem>> -> memref<128x128xf32, #tpu.memory_space<vmem>>
    tpu.enqueue_dma source(%dma_start3A_130 : memref<128x128xf32, #tpu.memory_space<vmem>>) target(%dma_start3A_126 : memref<128x128xf32, #tpu.memory_space<hbm>>) target_semaphore(%dma_start3A_124 : memref<!tpu.dma_semaphore, #tpu.memory_space<semaphore_mem>>)
    %dma_wait3A_131 = arith.constant 0 : i32
    %dma_wait3A_132 = arith.constant 0 : i32
    %dma_wait3A_133 = arith.constant 0 : i32
    %dma_wait3A_134 = arith.constant 0 : i32
    %dma_wait3A_135 = tpu.memref_slice %arg10[%dma_wait3A_131, %dma_wait3A_133, %dma_wait3A_134] : memref<7x128x128xf32, #tpu.memory_space<vmem>> -> memref<1x128x128xf32, #tpu.memory_space<vmem>>
    %dma_wait3A_136 = tpu.memref_squeeze %dma_wait3A_135 : memref<1x128x128xf32, #tpu.memory_space<vmem>> -> memref<128x128xf32, #tpu.memory_space<vmem>>
    %dma_wait3A_137 = arith.constant 0 : i32
    %dma_wait3A_138 = tpu.memref_slice %arg6[%add3A_114, %dma_wait3A_137] : memref<16384x128xf32, #tpu.memory_space<hbm>> -> memref<128x128xf32, #tpu.memory_space<hbm>>
    %dma_wait3A_139 = tpu.memref_slice %arg12[%dma_wait3A_132] : memref<7x!tpu.dma_semaphore, #tpu.memory_space<semaphore_mem>> -> memref<1x!tpu.dma_semaphore, #tpu.memory_space<semaphore_mem>>
    %dma_wait3A_140 = tpu.memref_squeeze %dma_wait3A_139 : memref<1x!tpu.dma_semaphore, #tpu.memory_space<semaphore_mem>> -> memref<!tpu.dma_semaphore, #tpu.memory_space<semaphore_mem>>
    %dma_wait3A_141 = arith.constant 0 : i32
    %dma_wait3A_142 = tpu.memref_slice %arg6[%add3A_114, %dma_wait3A_141] : memref<16384x128xf32, #tpu.memory_space<hbm>> -> memref<128x128xf32, #tpu.memory_space<hbm>>
    %dma_wait3A_143 = arith.constant 0 : i32
    %dma_wait3A_144 = arith.constant 0 : i32
    %dma_wait3A_145 = tpu.memref_slice %arg10[%dma_wait3A_131, %dma_wait3A_143, %dma_wait3A_144] : memref<7x128x128xf32, #tpu.memory_space<vmem>> -> memref<1x128x128xf32, #tpu.memory_space<vmem>>
    %dma_wait3A_146 = tpu.memref_squeeze %dma_wait3A_145 : memref<1x128x128xf32, #tpu.memory_space<vmem>> -> memref<128x128xf32, #tpu.memory_space<vmem>>
    tpu.wait_dma2 semaphore(%dma_wait3A_140 : memref<!tpu.dma_semaphore, #tpu.memory_space<semaphore_mem>>) src(%dma_wait3A_146 : memref<128x128xf32, #tpu.memory_space<vmem>>) dst(%dma_wait3A_142 : memref<128x128xf32, #tpu.memory_space<hbm>>)
    %dma_start3A_147 = arith.constant 0 : i32
    %dma_start3A_148 = arith.constant 0 : i32
    %dma_start3A_149 = arith.constant 0 : i32
    %dma_start3A_150 = arith.constant 0 : i32
    %dma_start3A_151 = tpu.memref_slice %arg10[%dma_start3A_147, %dma_start3A_149, %dma_start3A_150] : memref<7x128x128xf32, #tpu.memory_space<vmem>> -> memref<1x96x128xf32, #tpu.memory_space<vmem>>
    %dma_start3A_152 = tpu.memref_squeeze %dma_start3A_151 : memref<1x96x128xf32, #tpu.memory_space<vmem>> -> memref<96x128xf32, #tpu.memory_space<vmem>>
    %dma_start3A_153 = arith.constant 384 : i32
    %dma_start3A_154 = tpu.memref_slice %arg9[%dma_start3A_153] : memref<512xi32, #tpu.memory_space<vmem>> -> memref<96xi32, #tpu.memory_space<vmem>>
    %dma_start3A_155 = arith.constant 0 : i32
    %dma_start3A_156 = arith.constant 0 : i32
    %dma_start3A_157 = tpu.memref_slice %arg5[%dma_start3A_155, %dma_start3A_156] : memref<100000x128xf32, #tpu.memory_space<hbm>> -> memref<100000x128xf32, #tpu.memory_space<hbm>>
    %dma_start3A_158 = tpu.memref_slice %arg11[%dma_start3A_148] : memref<7x!tpu.dma_semaphore, #tpu.memory_space<semaphore_mem>> -> memref<1x!tpu.dma_semaphore, #tpu.memory_space<semaphore_mem>>
    %dma_start3A_159 = tpu.memref_squeeze %dma_start3A_158 : memref<1x!tpu.dma_semaphore, #tpu.memory_space<semaphore_mem>> -> memref<!tpu.dma_semaphore, #tpu.memory_space<semaphore_mem>>
    tpu.enqueue_indirect_dma source(%dma_start3A_157 : memref<100000x128xf32, #tpu.memory_space<hbm>>) target(%dma_start3A_152 : memref<96x128xf32, #tpu.memory_space<vmem>>) offsets(%dma_start3A_154 : memref<96xi32, #tpu.memory_space<vmem>>) semaphore(%dma_start3A_159 : memref<!tpu.dma_semaphore, #tpu.memory_space<semaphore_mem>>)
    %dma_wait3A_160 = arith.constant 1 : i32
    %dma_wait3A_161 = arith.constant 1 : i32
    %dma_wait3A_162 = arith.constant 0 : i32
    %dma_wait3A_163 = arith.constant 0 : i32
    %dma_wait3A_164 = tpu.memref_slice %arg10[%dma_wait3A_160, %dma_wait3A_162, %dma_wait3A_163] : memref<7x128x128xf32, #tpu.memory_space<vmem>> -> memref<1x128x128xf32, #tpu.memory_space<vmem>>
    %dma_wait3A_165 = tpu.memref_squeeze %dma_wait3A_164 : memref<1x128x128xf32, #tpu.memory_space<vmem>> -> memref<128x128xf32, #tpu.memory_space<vmem>>
    %dma_wait3A_166 = arith.constant 128 : i32
    %dma_wait3A_167 = tpu.memref_slice %arg8[%dma_wait3A_166] : memref<512xi32, #tpu.memory_space<vmem>> -> memref<128xi32, #tpu.memory_space<vmem>>
    %dma_wait3A_168 = arith.constant 0 : i32
    %dma_wait3A_169 = arith.constant 0 : i32
    %dma_wait3A_170 = tpu.memref_slice %arg4[%dma_wait3A_168, %dma_wait3A_169] : memref<100000x128xf32, #tpu.memory_space<hbm>> -> memref<100000x128xf32, #tpu.memory_space<hbm>>
    %dma_wait3A_171 = tpu.memref_slice %arg11[%dma_wait3A_161] : memref<7x!tpu.dma_semaphore, #tpu.memory_space<semaphore_mem>> -> memref<1x!tpu.dma_semaphore, #tpu.memory_space<semaphore_mem>>
    %dma_wait3A_172 = tpu.memref_squeeze %dma_wait3A_171 : memref<1x!tpu.dma_semaphore, #tpu.memory_space<semaphore_mem>> -> memref<!tpu.dma_semaphore, #tpu.memory_space<semaphore_mem>>
    tpu.wait_indirect_dma semaphore(%dma_wait3A_172 : memref<!tpu.dma_semaphore, #tpu.memory_space<semaphore_mem>>) src(%dma_wait3A_170 : memref<100000x128xf32, #tpu.memory_space<hbm>>) dst(%dma_wait3A_165 : memref<128x128xf32, #tpu.memory_space<vmem>>)
    %add3A_173 = arith.constant 128 : i32
    %add3A_174 = arith.addi %mul3A_2, %add3A_173 : i32
    %dma_start3A_175 = arith.constant 1 : i32
    %dma_start3A_176 = arith.constant 1 : i32
    %dma_start3A_177 = arith.constant 0 : i32
    %dma_start3A_178 = arith.constant 0 : i32
    %dma_start3A_179 = tpu.memref_slice %arg10[%dma_start3A_175, %dma_start3A_177, %dma_start3A_178] : memref<7x128x128xf32, #tpu.memory_space<vmem>> -> memref<1x128x128xf32, #tpu.memory_space<vmem>>
    %dma_start3A_180 = tpu.memref_squeeze %dma_start3A_179 : memref<1x128x128xf32, #tpu.memory_space<vmem>> -> memref<128x128xf32, #tpu.memory_space<vmem>>
    %dma_start3A_181 = arith.constant 0 : i32
    %dma_start3A_182 = tpu.memref_slice %arg6[%add3A_174, %dma_start3A_181] : memref<16384x128xf32, #tpu.memory_space<hbm>> -> memref<128x128xf32, #tpu.memory_space<hbm>>
    %dma_start3A_183 = tpu.memref_slice %arg12[%dma_start3A_176] : memref<7x!tpu.dma_semaphore, #tpu.memory_space<semaphore_mem>> -> memref<1x!tpu.dma_semaphore, #tpu.memory_space<semaphore_mem>>
    %dma_start3A_184 = tpu.memref_squeeze %dma_start3A_183 : memref<1x!tpu.dma_semaphore, #tpu.memory_space<semaphore_mem>> -> memref<!tpu.dma_semaphore, #tpu.memory_space<semaphore_mem>>
    %dma_start3A_185 = arith.constant 0 : i32
    %dma_start3A_186 = tpu.memref_slice %arg6[%add3A_174, %dma_start3A_185] : memref<16384x128xf32, #tpu.memory_space<hbm>> -> memref<128x128xf32, #tpu.memory_space<hbm>>
    %dma_start3A_187 = arith.constant 0 : i32
    %dma_start3A_188 = arith.constant 0 : i32
    %dma_start3A_189 = tpu.memref_slice %arg10[%dma_start3A_175, %dma_start3A_187, %dma_start3A_188] : memref<7x128x128xf32, #tpu.memory_space<vmem>> -> memref<1x128x128xf32, #tpu.memory_space<vmem>>
    %dma_start3A_190 = tpu.memref_squeeze %dma_start3A_189 : memref<1x128x128xf32, #tpu.memory_space<vmem>> -> memref<128x128xf32, #tpu.memory_space<vmem>>
    tpu.enqueue_dma source(%dma_start3A_190 : memref<128x128xf32, #tpu.memory_space<vmem>>) target(%dma_start3A_186 : memref<128x128xf32, #tpu.memory_space<hbm>>) target_semaphore(%dma_start3A_184 : memref<!tpu.dma_semaphore, #tpu.memory_space<semaphore_mem>>)
    %dma_wait3A_191 = arith.constant 1 : i32
    %dma_wait3A_192 = arith.constant 1 : i32
    %dma_wait3A_193 = arith.constant 0 : i32
    %dma_wait3A_194 = arith.constant 0 : i32
    %dma_wait3A_195 = tpu.memref_slice %arg10[%dma_wait3A_191, %dma_wait3A_193, %dma_wait3A_194] : memref<7x128x128xf32, #tpu.memory_space<vmem>> -> memref<1x128x128xf32, #tpu.memory_space<vmem>>
    %dma_wait3A_196 = tpu.memref_squeeze %dma_wait3A_195 : memref<1x128x128xf32, #tpu.memory_space<vmem>> -> memref<128x128xf32, #tpu.memory_space<vmem>>
    %dma_wait3A_197 = arith.constant 0 : i32
    %dma_wait3A_198 = tpu.memref_slice %arg6[%add3A_174, %dma_wait3A_197] : memref<16384x128xf32, #tpu.memory_space<hbm>> -> memref<128x128xf32, #tpu.memory_space<hbm>>
    %dma_wait3A_199 = tpu.memref_slice %arg12[%dma_wait3A_192] : memref<7x!tpu.dma_semaphore, #tpu.memory_space<semaphore_mem>> -> memref<1x!tpu.dma_semaphore, #tpu.memory_space<semaphore_mem>>
    %dma_wait3A_200 = tpu.memref_squeeze %dma_wait3A_199 : memref<1x!tpu.dma_semaphore, #tpu.memory_space<semaphore_mem>> -> memref<!tpu.dma_semaphore, #tpu.memory_space<semaphore_mem>>
    %dma_wait3A_201 = arith.constant 0 : i32
    %dma_wait3A_202 = tpu.memref_slice %arg6[%add3A_174, %dma_wait3A_201] : memref<16384x128xf32, #tpu.memory_space<hbm>> -> memref<128x128xf32, #tpu.memory_space<hbm>>
    %dma_wait3A_203 = arith.constant 0 : i32
    %dma_wait3A_204 = arith.constant 0 : i32
    %dma_wait3A_205 = tpu.memref_slice %arg10[%dma_wait3A_191, %dma_wait3A_203, %dma_wait3A_204] : memref<7x128x128xf32, #tpu.memory_space<vmem>> -> memref<1x128x128xf32, #tpu.memory_space<vmem>>
    %dma_wait3A_206 = tpu.memref_squeeze %dma_wait3A_205 : memref<1x128x128xf32, #tpu.memory_space<vmem>> -> memref<128x128xf32, #tpu.memory_space<vmem>>
    tpu.wait_dma2 semaphore(%dma_wait3A_200 : memref<!tpu.dma_semaphore, #tpu.memory_space<semaphore_mem>>) src(%dma_wait3A_206 : memref<128x128xf32, #tpu.memory_space<vmem>>) dst(%dma_wait3A_202 : memref<128x128xf32, #tpu.memory_space<hbm>>)
    %dma_start3A_207 = arith.constant 1 : i32
    %dma_start3A_208 = arith.constant 1 : i32
    %dma_start3A_209 = arith.constant 0 : i32
    %dma_start3A_210 = arith.constant 0 : i32
    %dma_start3A_211 = tpu.memref_slice %arg10[%dma_start3A_207, %dma_start3A_209, %dma_start3A_210] : memref<7x128x128xf32, #tpu.memory_space<vmem>> -> memref<1x32x128xf32, #tpu.memory_space<vmem>>
    %dma_start3A_212 = tpu.memref_squeeze %dma_start3A_211 : memref<1x32x128xf32, #tpu.memory_space<vmem>> -> memref<32x128xf32, #tpu.memory_space<vmem>>
    %dma_start3A_213 = arith.constant 480 : i32
    %dma_start3A_214 = tpu.memref_slice %arg9[%dma_start3A_213] : memref<512xi32, #tpu.memory_space<vmem>> -> memref<32xi32, #tpu.memory_space<vmem>>
    %dma_start3A_215 = arith.constant 0 : i32
    %dma_start3A_216 = arith.constant 0 : i32
    %dma_start3A_217 = tpu.memref_slice %arg5[%dma_start3A_215, %dma_start3A_216] : memref<100000x128xf32, #tpu.memory_space<hbm>> -> memref<100000x128xf32, #tpu.memory_space<hbm>>
    %dma_start3A_218 = tpu.memref_slice %arg11[%dma_start3A_208] : memref<7x!tpu.dma_semaphore, #tpu.memory_space<semaphore_mem>> -> memref<1x!tpu.dma_semaphore, #tpu.memory_space<semaphore_mem>>
    %dma_start3A_219 = tpu.memref_squeeze %dma_start3A_218 : memref<1x!tpu.dma_semaphore, #tpu.memory_space<semaphore_mem>> -> memref<!tpu.dma_semaphore, #tpu.memory_space<semaphore_mem>>
    tpu.enqueue_indirect_dma source(%dma_start3A_217 : memref<100000x128xf32, #tpu.memory_space<hbm>>) target(%dma_start3A_212 : memref<32x128xf32, #tpu.memory_space<vmem>>) offsets(%dma_start3A_214 : memref<32xi32, #tpu.memory_space<vmem>>) semaphore(%dma_start3A_219 : memref<!tpu.dma_semaphore, #tpu.memory_space<semaphore_mem>>)
    %dma_wait3A_220 = arith.constant 2 : i32
    %dma_wait3A_221 = arith.constant 2 : i32
    %dma_wait3A_222 = arith.constant 0 : i32
    %dma_wait3A_223 = arith.constant 0 : i32
    %dma_wait3A_224 = tpu.memref_slice %arg10[%dma_wait3A_220, %dma_wait3A_222, %dma_wait3A_223] : memref<7x128x128xf32, #tpu.memory_space<vmem>> -> memref<1x128x128xf32, #tpu.memory_space<vmem>>
    %dma_wait3A_225 = tpu.memref_squeeze %dma_wait3A_224 : memref<1x128x128xf32, #tpu.memory_space<vmem>> -> memref<128x128xf32, #tpu.memory_space<vmem>>
    %dma_wait3A_226 = arith.constant 256 : i32
    %dma_wait3A_227 = tpu.memref_slice %arg8[%dma_wait3A_226] : memref<512xi32, #tpu.memory_space<vmem>> -> memref<128xi32, #tpu.memory_space<vmem>>
    %dma_wait3A_228 = arith.constant 0 : i32
    %dma_wait3A_229 = arith.constant 0 : i32
    %dma_wait3A_230 = tpu.memref_slice %arg4[%dma_wait3A_228, %dma_wait3A_229] : memref<100000x128xf32, #tpu.memory_space<hbm>> -> memref<100000x128xf32, #tpu.memory_space<hbm>>
    %dma_wait3A_231 = tpu.memref_slice %arg11[%dma_wait3A_221] : memref<7x!tpu.dma_semaphore, #tpu.memory_space<semaphore_mem>> -> memref<1x!tpu.dma_semaphore, #tpu.memory_space<semaphore_mem>>
    %dma_wait3A_232 = tpu.memref_squeeze %dma_wait3A_231 : memref<1x!tpu.dma_semaphore, #tpu.memory_space<semaphore_mem>> -> memref<!tpu.dma_semaphore, #tpu.memory_space<semaphore_mem>>
    tpu.wait_indirect_dma semaphore(%dma_wait3A_232 : memref<!tpu.dma_semaphore, #tpu.memory_space<semaphore_mem>>) src(%dma_wait3A_230 : memref<100000x128xf32, #tpu.memory_space<hbm>>) dst(%dma_wait3A_225 : memref<128x128xf32, #tpu.memory_space<vmem>>)
    %add3A_233 = arith.constant 256 : i32
    %add3A_234 = arith.addi %mul3A_2, %add3A_233 : i32
    %dma_start3A_235 = arith.constant 2 : i32
    %dma_start3A_236 = arith.constant 2 : i32
    %dma_start3A_237 = arith.constant 0 : i32
    %dma_start3A_238 = arith.constant 0 : i32
    %dma_start3A_239 = tpu.memref_slice %arg10[%dma_start3A_235, %dma_start3A_237, %dma_start3A_238] : memref<7x128x128xf32, #tpu.memory_space<vmem>> -> memref<1x128x128xf32, #tpu.memory_space<vmem>>
    %dma_start3A_240 = tpu.memref_squeeze %dma_start3A_239 : memref<1x128x128xf32, #tpu.memory_space<vmem>> -> memref<128x128xf32, #tpu.memory_space<vmem>>
    %dma_start3A_241 = arith.constant 0 : i32
    %dma_start3A_242 = tpu.memref_slice %arg6[%add3A_234, %dma_start3A_241] : memref<16384x128xf32, #tpu.memory_space<hbm>> -> memref<128x128xf32, #tpu.memory_space<hbm>>
    %dma_start3A_243 = tpu.memref_slice %arg12[%dma_start3A_236] : memref<7x!tpu.dma_semaphore, #tpu.memory_space<semaphore_mem>> -> memref<1x!tpu.dma_semaphore, #tpu.memory_space<semaphore_mem>>
    %dma_start3A_244 = tpu.memref_squeeze %dma_start3A_243 : memref<1x!tpu.dma_semaphore, #tpu.memory_space<semaphore_mem>> -> memref<!tpu.dma_semaphore, #tpu.memory_space<semaphore_mem>>
    %dma_start3A_245 = arith.constant 0 : i32
    %dma_start3A_246 = tpu.memref_slice %arg6[%add3A_234, %dma_start3A_245] : memref<16384x128xf32, #tpu.memory_space<hbm>> -> memref<128x128xf32, #tpu.memory_space<hbm>>
    %dma_start3A_247 = arith.constant 0 : i32
    %dma_start3A_248 = arith.constant 0 : i32
    %dma_start3A_249 = tpu.memref_slice %arg10[%dma_start3A_235, %dma_start3A_247, %dma_start3A_248] : memref<7x128x128xf32, #tpu.memory_space<vmem>> -> memref<1x128x128xf32, #tpu.memory_space<vmem>>
    %dma_start3A_250 = tpu.memref_squeeze %dma_start3A_249 : memref<1x128x128xf32, #tpu.memory_space<vmem>> -> memref<128x128xf32, #tpu.memory_space<vmem>>
    tpu.enqueue_dma source(%dma_start3A_250 : memref<128x128xf32, #tpu.memory_space<vmem>>) target(%dma_start3A_246 : memref<128x128xf32, #tpu.memory_space<hbm>>) target_semaphore(%dma_start3A_244 : memref<!tpu.dma_semaphore, #tpu.memory_space<semaphore_mem>>)
    %dma_wait3A_251 = arith.constant 3 : i32
    %dma_wait3A_252 = arith.constant 3 : i32
    %dma_wait3A_253 = arith.constant 0 : i32
    %dma_wait3A_254 = arith.constant 0 : i32
    %dma_wait3A_255 = tpu.memref_slice %arg10[%dma_wait3A_251, %dma_wait3A_253, %dma_wait3A_254] : memref<7x128x128xf32, #tpu.memory_space<vmem>> -> memref<1x128x128xf32, #tpu.memory_space<vmem>>
    %dma_wait3A_256 = tpu.memref_squeeze %dma_wait3A_255 : memref<1x128x128xf32, #tpu.memory_space<vmem>> -> memref<128x128xf32, #tpu.memory_space<vmem>>
    %dma_wait3A_257 = arith.constant 384 : i32
    %dma_wait3A_258 = tpu.memref_slice %arg8[%dma_wait3A_257] : memref<512xi32, #tpu.memory_space<vmem>> -> memref<128xi32, #tpu.memory_space<vmem>>
    %dma_wait3A_259 = arith.constant 0 : i32
    %dma_wait3A_260 = arith.constant 0 : i32
    %dma_wait3A_261 = tpu.memref_slice %arg4[%dma_wait3A_259, %dma_wait3A_260] : memref<100000x128xf32, #tpu.memory_space<hbm>> -> memref<100000x128xf32, #tpu.memory_space<hbm>>
    %dma_wait3A_262 = tpu.memref_slice %arg11[%dma_wait3A_252] : memref<7x!tpu.dma_semaphore, #tpu.memory_space<semaphore_mem>> -> memref<1x!tpu.dma_semaphore, #tpu.memory_space<semaphore_mem>>
    %dma_wait3A_263 = tpu.memref_squeeze %dma_wait3A_262 : memref<1x!tpu.dma_semaphore, #tpu.memory_space<semaphore_mem>> -> memref<!tpu.dma_semaphore, #tpu.memory_space<semaphore_mem>>
    tpu.wait_indirect_dma semaphore(%dma_wait3A_263 : memref<!tpu.dma_semaphore, #tpu.memory_space<semaphore_mem>>) src(%dma_wait3A_261 : memref<100000x128xf32, #tpu.memory_space<hbm>>) dst(%dma_wait3A_256 : memref<128x128xf32, #tpu.memory_space<vmem>>)
    %add3A_264 = arith.constant 384 : i32
    %add3A_265 = arith.addi %mul3A_2, %add3A_264 : i32
    %dma_start3A_266 = arith.constant 3 : i32
    %dma_start3A_267 = arith.constant 3 : i32
    %dma_start3A_268 = arith.constant 0 : i32
    %dma_start3A_269 = arith.constant 0 : i32
    %dma_start3A_270 = tpu.memref_slice %arg10[%dma_start3A_266, %dma_start3A_268, %dma_start3A_269] : memref<7x128x128xf32, #tpu.memory_space<vmem>> -> memref<1x128x128xf32, #tpu.memory_space<vmem>>
    %dma_start3A_271 = tpu.memref_squeeze %dma_start3A_270 : memref<1x128x128xf32, #tpu.memory_space<vmem>> -> memref<128x128xf32, #tpu.memory_space<vmem>>
    %dma_start3A_272 = arith.constant 0 : i32
    %dma_start3A_273 = tpu.memref_slice %arg6[%add3A_265, %dma_start3A_272] : memref<16384x128xf32, #tpu.memory_space<hbm>> -> memref<128x128xf32, #tpu.memory_space<hbm>>
    %dma_start3A_274 = tpu.memref_slice %arg12[%dma_start3A_267] : memref<7x!tpu.dma_semaphore, #tpu.memory_space<semaphore_mem>> -> memref<1x!tpu.dma_semaphore, #tpu.memory_space<semaphore_mem>>
    %dma_start3A_275 = tpu.memref_squeeze %dma_start3A_274 : memref<1x!tpu.dma_semaphore, #tpu.memory_space<semaphore_mem>> -> memref<!tpu.dma_semaphore, #tpu.memory_space<semaphore_mem>>
    %dma_start3A_276 = arith.constant 0 : i32
    %dma_start3A_277 = tpu.memref_slice %arg6[%add3A_265, %dma_start3A_276] : memref<16384x128xf32, #tpu.memory_space<hbm>> -> memref<128x128xf32, #tpu.memory_space<hbm>>
    %dma_start3A_278 = arith.constant 0 : i32
    %dma_start3A_279 = arith.constant 0 : i32
    %dma_start3A_280 = tpu.memref_slice %arg10[%dma_start3A_266, %dma_start3A_278, %dma_start3A_279] : memref<7x128x128xf32, #tpu.memory_space<vmem>> -> memref<1x128x128xf32, #tpu.memory_space<vmem>>
    %dma_start3A_281 = tpu.memref_squeeze %dma_start3A_280 : memref<1x128x128xf32, #tpu.memory_space<vmem>> -> memref<128x128xf32, #tpu.memory_space<vmem>>
    tpu.enqueue_dma source(%dma_start3A_281 : memref<128x128xf32, #tpu.memory_space<vmem>>) target(%dma_start3A_277 : memref<128x128xf32, #tpu.memory_space<hbm>>) target_semaphore(%dma_start3A_275 : memref<!tpu.dma_semaphore, #tpu.memory_space<semaphore_mem>>)
    %dma_wait3A_282 = arith.constant 4 : i32
    %dma_wait3A_283 = arith.constant 4 : i32
    %dma_wait3A_284 = arith.constant 0 : i32
    %dma_wait3A_285 = arith.constant 0 : i32
    %dma_wait3A_286 = tpu.memref_slice %arg10[%dma_wait3A_282, %dma_wait3A_284, %dma_wait3A_285] : memref<7x128x128xf32, #tpu.memory_space<vmem>> -> memref<1x128x128xf32, #tpu.memory_space<vmem>>
    %dma_wait3A_287 = tpu.memref_squeeze %dma_wait3A_286 : memref<1x128x128xf32, #tpu.memory_space<vmem>> -> memref<128x128xf32, #tpu.memory_space<vmem>>
    %dma_wait3A_288 = arith.constant 0 : i32
    %dma_wait3A_289 = tpu.memref_slice %arg9[%dma_wait3A_288] : memref<512xi32, #tpu.memory_space<vmem>> -> memref<128xi32, #tpu.memory_space<vmem>>
    %dma_wait3A_290 = arith.constant 0 : i32
    %dma_wait3A_291 = arith.constant 0 : i32
    %dma_wait3A_292 = tpu.memref_slice %arg5[%dma_wait3A_290, %dma_wait3A_291] : memref<100000x128xf32, #tpu.memory_space<hbm>> -> memref<100000x128xf32, #tpu.memory_space<hbm>>
    %dma_wait3A_293 = tpu.memref_slice %arg11[%dma_wait3A_283] : memref<7x!tpu.dma_semaphore, #tpu.memory_space<semaphore_mem>> -> memref<1x!tpu.dma_semaphore, #tpu.memory_space<semaphore_mem>>
    %dma_wait3A_294 = tpu.memref_squeeze %dma_wait3A_293 : memref<1x!tpu.dma_semaphore, #tpu.memory_space<semaphore_mem>> -> memref<!tpu.dma_semaphore, #tpu.memory_space<semaphore_mem>>
    tpu.wait_indirect_dma semaphore(%dma_wait3A_294 : memref<!tpu.dma_semaphore, #tpu.memory_space<semaphore_mem>>) src(%dma_wait3A_292 : memref<100000x128xf32, #tpu.memory_space<hbm>>) dst(%dma_wait3A_287 : memref<128x128xf32, #tpu.memory_space<vmem>>)
    %add3A_295 = arith.constant 0 : i32
    %add3A_296 = arith.addi %mul3A_2, %add3A_295 : i32
    %dma_start3A_297 = arith.constant 4 : i32
    %dma_start3A_298 = arith.constant 4 : i32
    %dma_start3A_299 = arith.constant 0 : i32
    %dma_start3A_300 = arith.constant 0 : i32
    %dma_start3A_301 = tpu.memref_slice %arg10[%dma_start3A_297, %dma_start3A_299, %dma_start3A_300] : memref<7x128x128xf32, #tpu.memory_space<vmem>> -> memref<1x128x128xf32, #tpu.memory_space<vmem>>
    %dma_start3A_302 = tpu.memref_squeeze %dma_start3A_301 : memref<1x128x128xf32, #tpu.memory_space<vmem>> -> memref<128x128xf32, #tpu.memory_space<vmem>>
    %dma_start3A_303 = arith.constant 0 : i32
    %dma_start3A_304 = tpu.memref_slice %arg7[%add3A_296, %dma_start3A_303] : memref<16384x128xf32, #tpu.memory_space<hbm>> -> memref<128x128xf32, #tpu.memory_space<hbm>>
    %dma_start3A_305 = tpu.memref_slice %arg12[%dma_start3A_298] : memref<7x!tpu.dma_semaphore, #tpu.memory_space<semaphore_mem>> -> memref<1x!tpu.dma_semaphore, #tpu.memory_space<semaphore_mem>>
    %dma_start3A_306 = tpu.memref_squeeze %dma_start3A_305 : memref<1x!tpu.dma_semaphore, #tpu.memory_space<semaphore_mem>> -> memref<!tpu.dma_semaphore, #tpu.memory_space<semaphore_mem>>
    %dma_start3A_307 = arith.constant 0 : i32
    %dma_start3A_308 = tpu.memref_slice %arg7[%add3A_296, %dma_start3A_307] : memref<16384x128xf32, #tpu.memory_space<hbm>> -> memref<128x128xf32, #tpu.memory_space<hbm>>
    %dma_start3A_309 = arith.constant 0 : i32
    %dma_start3A_310 = arith.constant 0 : i32
    %dma_start3A_311 = tpu.memref_slice %arg10[%dma_start3A_297, %dma_start3A_309, %dma_start3A_310] : memref<7x128x128xf32, #tpu.memory_space<vmem>> -> memref<1x128x128xf32, #tpu.memory_space<vmem>>
    %dma_start3A_312 = tpu.memref_squeeze %dma_start3A_311 : memref<1x128x128xf32, #tpu.memory_space<vmem>> -> memref<128x128xf32, #tpu.memory_space<vmem>>
    tpu.enqueue_dma source(%dma_start3A_312 : memref<128x128xf32, #tpu.memory_space<vmem>>) target(%dma_start3A_308 : memref<128x128xf32, #tpu.memory_space<hbm>>) target_semaphore(%dma_start3A_306 : memref<!tpu.dma_semaphore, #tpu.memory_space<semaphore_mem>>)
    %dma_wait3A_313 = arith.constant 5 : i32
    %dma_wait3A_314 = arith.constant 5 : i32
    %dma_wait3A_315 = arith.constant 0 : i32
    %dma_wait3A_316 = arith.constant 0 : i32
    %dma_wait3A_317 = tpu.memref_slice %arg10[%dma_wait3A_313, %dma_wait3A_315, %dma_wait3A_316] : memref<7x128x128xf32, #tpu.memory_space<vmem>> -> memref<1x128x128xf32, #tpu.memory_space<vmem>>
    %dma_wait3A_318 = tpu.memref_squeeze %dma_wait3A_317 : memref<1x128x128xf32, #tpu.memory_space<vmem>> -> memref<128x128xf32, #tpu.memory_space<vmem>>
    %dma_wait3A_319 = arith.constant 128 : i32
    %dma_wait3A_320 = tpu.memref_slice %arg9[%dma_wait3A_319] : memref<512xi32, #tpu.memory_space<vmem>> -> memref<128xi32, #tpu.memory_space<vmem>>
    %dma_wait3A_321 = arith.constant 0 : i32
    %dma_wait3A_322 = arith.constant 0 : i32
    %dma_wait3A_323 = tpu.memref_slice %arg5[%dma_wait3A_321, %dma_wait3A_322] : memref<100000x128xf32, #tpu.memory_space<hbm>> -> memref<100000x128xf32, #tpu.memory_space<hbm>>
    %dma_wait3A_324 = tpu.memref_slice %arg11[%dma_wait3A_314] : memref<7x!tpu.dma_semaphore, #tpu.memory_space<semaphore_mem>> -> memref<1x!tpu.dma_semaphore, #tpu.memory_space<semaphore_mem>>
    %dma_wait3A_325 = tpu.memref_squeeze %dma_wait3A_324 : memref<1x!tpu.dma_semaphore, #tpu.memory_space<semaphore_mem>> -> memref<!tpu.dma_semaphore, #tpu.memory_space<semaphore_mem>>
    tpu.wait_indirect_dma semaphore(%dma_wait3A_325 : memref<!tpu.dma_semaphore, #tpu.memory_space<semaphore_mem>>) src(%dma_wait3A_323 : memref<100000x128xf32, #tpu.memory_space<hbm>>) dst(%dma_wait3A_318 : memref<128x128xf32, #tpu.memory_space<vmem>>)
    %add3A_326 = arith.constant 128 : i32
    %add3A_327 = arith.addi %mul3A_2, %add3A_326 : i32
    %dma_start3A_328 = arith.constant 5 : i32
    %dma_start3A_329 = arith.constant 5 : i32
    %dma_start3A_330 = arith.constant 0 : i32
    %dma_start3A_331 = arith.constant 0 : i32
    %dma_start3A_332 = tpu.memref_slice %arg10[%dma_start3A_328, %dma_start3A_330, %dma_start3A_331] : memref<7x128x128xf32, #tpu.memory_space<vmem>> -> memref<1x128x128xf32, #tpu.memory_space<vmem>>
    %dma_start3A_333 = tpu.memref_squeeze %dma_start3A_332 : memref<1x128x128xf32, #tpu.memory_space<vmem>> -> memref<128x128xf32, #tpu.memory_space<vmem>>
    %dma_start3A_334 = arith.constant 0 : i32
    %dma_start3A_335 = tpu.memref_slice %arg7[%add3A_327, %dma_start3A_334] : memref<16384x128xf32, #tpu.memory_space<hbm>> -> memref<128x128xf32, #tpu.memory_space<hbm>>
    %dma_start3A_336 = tpu.memref_slice %arg12[%dma_start3A_329] : memref<7x!tpu.dma_semaphore, #tpu.memory_space<semaphore_mem>> -> memref<1x!tpu.dma_semaphore, #tpu.memory_space<semaphore_mem>>
    %dma_start3A_337 = tpu.memref_squeeze %dma_start3A_336 : memref<1x!tpu.dma_semaphore, #tpu.memory_space<semaphore_mem>> -> memref<!tpu.dma_semaphore, #tpu.memory_space<semaphore_mem>>
    %dma_start3A_338 = arith.constant 0 : i32
    %dma_start3A_339 = tpu.memref_slice %arg7[%add3A_327, %dma_start3A_338] : memref<16384x128xf32, #tpu.memory_space<hbm>> -> memref<128x128xf32, #tpu.memory_space<hbm>>
    %dma_start3A_340 = arith.constant 0 : i32
    %dma_start3A_341 = arith.constant 0 : i32
    %dma_start3A_342 = tpu.memref_slice %arg10[%dma_start3A_328, %dma_start3A_340, %dma_start3A_341] : memref<7x128x128xf32, #tpu.memory_space<vmem>> -> memref<1x128x128xf32, #tpu.memory_space<vmem>>
    %dma_start3A_343 = tpu.memref_squeeze %dma_start3A_342 : memref<1x128x128xf32, #tpu.memory_space<vmem>> -> memref<128x128xf32, #tpu.memory_space<vmem>>
    tpu.enqueue_dma source(%dma_start3A_343 : memref<128x128xf32, #tpu.memory_space<vmem>>) target(%dma_start3A_339 : memref<128x128xf32, #tpu.memory_space<hbm>>) target_semaphore(%dma_start3A_337 : memref<!tpu.dma_semaphore, #tpu.memory_space<semaphore_mem>>)
    %dma_wait3A_344 = arith.constant 6 : i32
    %dma_wait3A_345 = arith.constant 6 : i32
    %dma_wait3A_346 = arith.constant 0 : i32
    %dma_wait3A_347 = arith.constant 0 : i32
    %dma_wait3A_348 = tpu.memref_slice %arg10[%dma_wait3A_344, %dma_wait3A_346, %dma_wait3A_347] : memref<7x128x128xf32, #tpu.memory_space<vmem>> -> memref<1x128x128xf32, #tpu.memory_space<vmem>>
    %dma_wait3A_349 = tpu.memref_squeeze %dma_wait3A_348 : memref<1x128x128xf32, #tpu.memory_space<vmem>> -> memref<128x128xf32, #tpu.memory_space<vmem>>
    %dma_wait3A_350 = arith.constant 256 : i32
    %dma_wait3A_351 = tpu.memref_slice %arg9[%dma_wait3A_350] : memref<512xi32, #tpu.memory_space<vmem>> -> memref<128xi32, #tpu.memory_space<vmem>>
    %dma_wait3A_352 = arith.constant 0 : i32
    %dma_wait3A_353 = arith.constant 0 : i32
    %dma_wait3A_354 = tpu.memref_slice %arg5[%dma_wait3A_352, %dma_wait3A_353] : memref<100000x128xf32, #tpu.memory_space<hbm>> -> memref<100000x128xf32, #tpu.memory_space<hbm>>
    %dma_wait3A_355 = tpu.memref_slice %arg11[%dma_wait3A_345] : memref<7x!tpu.dma_semaphore, #tpu.memory_space<semaphore_mem>> -> memref<1x!tpu.dma_semaphore, #tpu.memory_space<semaphore_mem>>
    %dma_wait3A_356 = tpu.memref_squeeze %dma_wait3A_355 : memref<1x!tpu.dma_semaphore, #tpu.memory_space<semaphore_mem>> -> memref<!tpu.dma_semaphore, #tpu.memory_space<semaphore_mem>>
    tpu.wait_indirect_dma semaphore(%dma_wait3A_356 : memref<!tpu.dma_semaphore, #tpu.memory_space<semaphore_mem>>) src(%dma_wait3A_354 : memref<100000x128xf32, #tpu.memory_space<hbm>>) dst(%dma_wait3A_349 : memref<128x128xf32, #tpu.memory_space<vmem>>)
    %add3A_357 = arith.constant 256 : i32
    %add3A_358 = arith.addi %mul3A_2, %add3A_357 : i32
    %dma_start3A_359 = arith.constant 6 : i32
    %dma_start3A_360 = arith.constant 6 : i32
    %dma_start3A_361 = arith.constant 0 : i32
    %dma_start3A_362 = arith.constant 0 : i32
    %dma_start3A_363 = tpu.memref_slice %arg10[%dma_start3A_359, %dma_start3A_361, %dma_start3A_362] : memref<7x128x128xf32, #tpu.memory_space<vmem>> -> memref<1x128x128xf32, #tpu.memory_space<vmem>>
    %dma_start3A_364 = tpu.memref_squeeze %dma_start3A_363 : memref<1x128x128xf32, #tpu.memory_space<vmem>> -> memref<128x128xf32, #tpu.memory_space<vmem>>
    %dma_start3A_365 = arith.constant 0 : i32
    %dma_start3A_366 = tpu.memref_slice %arg7[%add3A_358, %dma_start3A_365] : memref<16384x128xf32, #tpu.memory_space<hbm>> -> memref<128x128xf32, #tpu.memory_space<hbm>>
    %dma_start3A_367 = tpu.memref_slice %arg12[%dma_start3A_360] : memref<7x!tpu.dma_semaphore, #tpu.memory_space<semaphore_mem>> -> memref<1x!tpu.dma_semaphore, #tpu.memory_space<semaphore_mem>>
    %dma_start3A_368 = tpu.memref_squeeze %dma_start3A_367 : memref<1x!tpu.dma_semaphore, #tpu.memory_space<semaphore_mem>> -> memref<!tpu.dma_semaphore, #tpu.memory_space<semaphore_mem>>
    %dma_start3A_369 = arith.constant 0 : i32
    %dma_start3A_370 = tpu.memref_slice %arg7[%add3A_358, %dma_start3A_369] : memref<16384x128xf32, #tpu.memory_space<hbm>> -> memref<128x128xf32, #tpu.memory_space<hbm>>
    %dma_start3A_371 = arith.constant 0 : i32
    %dma_start3A_372 = arith.constant 0 : i32
    %dma_start3A_373 = tpu.memref_slice %arg10[%dma_start3A_359, %dma_start3A_371, %dma_start3A_372] : memref<7x128x128xf32, #tpu.memory_space<vmem>> -> memref<1x128x128xf32, #tpu.memory_space<vmem>>
    %dma_start3A_374 = tpu.memref_squeeze %dma_start3A_373 : memref<1x128x128xf32, #tpu.memory_space<vmem>> -> memref<128x128xf32, #tpu.memory_space<vmem>>
    tpu.enqueue_dma source(%dma_start3A_374 : memref<128x128xf32, #tpu.memory_space<vmem>>) target(%dma_start3A_370 : memref<128x128xf32, #tpu.memory_space<hbm>>) target_semaphore(%dma_start3A_368 : memref<!tpu.dma_semaphore, #tpu.memory_space<semaphore_mem>>)
    %dma_wait3A_375 = arith.constant 0 : i32
    %dma_wait3A_376 = arith.constant 0 : i32
    %dma_wait3A_377 = arith.constant 0 : i32
    %dma_wait3A_378 = arith.constant 0 : i32
    %dma_wait3A_379 = tpu.memref_slice %arg10[%dma_wait3A_375, %dma_wait3A_377, %dma_wait3A_378] : memref<7x128x128xf32, #tpu.memory_space<vmem>> -> memref<1x96x128xf32, #tpu.memory_space<vmem>>
    %dma_wait3A_380 = tpu.memref_squeeze %dma_wait3A_379 : memref<1x96x128xf32, #tpu.memory_space<vmem>> -> memref<96x128xf32, #tpu.memory_space<vmem>>
    %dma_wait3A_381 = arith.constant 384 : i32
    %dma_wait3A_382 = tpu.memref_slice %arg9[%dma_wait3A_381] : memref<512xi32, #tpu.memory_space<vmem>> -> memref<96xi32, #tpu.memory_space<vmem>>
    %dma_wait3A_383 = arith.constant 0 : i32
    %dma_wait3A_384 = arith.constant 0 : i32
    %dma_wait3A_385 = tpu.memref_slice %arg5[%dma_wait3A_383, %dma_wait3A_384] : memref<100000x128xf32, #tpu.memory_space<hbm>> -> memref<100000x128xf32, #tpu.memory_space<hbm>>
    %dma_wait3A_386 = tpu.memref_slice %arg11[%dma_wait3A_376] : memref<7x!tpu.dma_semaphore, #tpu.memory_space<semaphore_mem>> -> memref<1x!tpu.dma_semaphore, #tpu.memory_space<semaphore_mem>>
    %dma_wait3A_387 = tpu.memref_squeeze %dma_wait3A_386 : memref<1x!tpu.dma_semaphore, #tpu.memory_space<semaphore_mem>> -> memref<!tpu.dma_semaphore, #tpu.memory_space<semaphore_mem>>
    tpu.wait_indirect_dma semaphore(%dma_wait3A_387 : memref<!tpu.dma_semaphore, #tpu.memory_space<semaphore_mem>>) src(%dma_wait3A_385 : memref<100000x128xf32, #tpu.memory_space<hbm>>) dst(%dma_wait3A_380 : memref<96x128xf32, #tpu.memory_space<vmem>>)
    %add3A_388 = arith.constant 384 : i32
    %add3A_389 = arith.addi %mul3A_2, %add3A_388 : i32
    %dma_start3A_390 = arith.constant 0 : i32
    %dma_start3A_391 = arith.constant 0 : i32
    %dma_start3A_392 = arith.constant 0 : i32
    %dma_start3A_393 = arith.constant 0 : i32
    %dma_start3A_394 = tpu.memref_slice %arg10[%dma_start3A_390, %dma_start3A_392, %dma_start3A_393] : memref<7x128x128xf32, #tpu.memory_space<vmem>> -> memref<1x96x128xf32, #tpu.memory_space<vmem>>
    %dma_start3A_395 = tpu.memref_squeeze %dma_start3A_394 : memref<1x96x128xf32, #tpu.memory_space<vmem>> -> memref<96x128xf32, #tpu.memory_space<vmem>>
    %dma_start3A_396 = arith.constant 0 : i32
    %dma_start3A_397 = tpu.memref_slice %arg7[%add3A_389, %dma_start3A_396] : memref<16384x128xf32, #tpu.memory_space<hbm>> -> memref<96x128xf32, #tpu.memory_space<hbm>>
    %dma_start3A_398 = tpu.memref_slice %arg12[%dma_start3A_391] : memref<7x!tpu.dma_semaphore, #tpu.memory_space<semaphore_mem>> -> memref<1x!tpu.dma_semaphore, #tpu.memory_space<semaphore_mem>>
    %dma_start3A_399 = tpu.memref_squeeze %dma_start3A_398 : memref<1x!tpu.dma_semaphore, #tpu.memory_space<semaphore_mem>> -> memref<!tpu.dma_semaphore, #tpu.memory_space<semaphore_mem>>
    %dma_start3A_400 = arith.constant 0 : i32
    %dma_start3A_401 = tpu.memref_slice %arg7[%add3A_389, %dma_start3A_400] : memref<16384x128xf32, #tpu.memory_space<hbm>> -> memref<96x128xf32, #tpu.memory_space<hbm>>
    %dma_start3A_402 = arith.constant 0 : i32
    %dma_start3A_403 = arith.constant 0 : i32
    %dma_start3A_404 = tpu.memref_slice %arg10[%dma_start3A_390, %dma_start3A_402, %dma_start3A_403] : memref<7x128x128xf32, #tpu.memory_space<vmem>> -> memref<1x96x128xf32, #tpu.memory_space<vmem>>
    %dma_start3A_405 = tpu.memref_squeeze %dma_start3A_404 : memref<1x96x128xf32, #tpu.memory_space<vmem>> -> memref<96x128xf32, #tpu.memory_space<vmem>>
    tpu.enqueue_dma source(%dma_start3A_405 : memref<96x128xf32, #tpu.memory_space<vmem>>) target(%dma_start3A_401 : memref<96x128xf32, #tpu.memory_space<hbm>>) target_semaphore(%dma_start3A_399 : memref<!tpu.dma_semaphore, #tpu.memory_space<semaphore_mem>>)
    %dma_wait3A_406 = arith.constant 1 : i32
    %dma_wait3A_407 = arith.constant 1 : i32
    %dma_wait3A_408 = arith.constant 0 : i32
    %dma_wait3A_409 = arith.constant 0 : i32
    %dma_wait3A_410 = tpu.memref_slice %arg10[%dma_wait3A_406, %dma_wait3A_408, %dma_wait3A_409] : memref<7x128x128xf32, #tpu.memory_space<vmem>> -> memref<1x32x128xf32, #tpu.memory_space<vmem>>
    %dma_wait3A_411 = tpu.memref_squeeze %dma_wait3A_410 : memref<1x32x128xf32, #tpu.memory_space<vmem>> -> memref<32x128xf32, #tpu.memory_space<vmem>>
    %dma_wait3A_412 = arith.constant 480 : i32
    %dma_wait3A_413 = tpu.memref_slice %arg9[%dma_wait3A_412] : memref<512xi32, #tpu.memory_space<vmem>> -> memref<32xi32, #tpu.memory_space<vmem>>
    %dma_wait3A_414 = arith.constant 0 : i32
    %dma_wait3A_415 = arith.constant 0 : i32
    %dma_wait3A_416 = tpu.memref_slice %arg5[%dma_wait3A_414, %dma_wait3A_415] : memref<100000x128xf32, #tpu.memory_space<hbm>> -> memref<100000x128xf32, #tpu.memory_space<hbm>>
    %dma_wait3A_417 = tpu.memref_slice %arg11[%dma_wait3A_407] : memref<7x!tpu.dma_semaphore, #tpu.memory_space<semaphore_mem>> -> memref<1x!tpu.dma_semaphore, #tpu.memory_space<semaphore_mem>>
    %dma_wait3A_418 = tpu.memref_squeeze %dma_wait3A_417 : memref<1x!tpu.dma_semaphore, #tpu.memory_space<semaphore_mem>> -> memref<!tpu.dma_semaphore, #tpu.memory_space<semaphore_mem>>
    tpu.wait_indirect_dma semaphore(%dma_wait3A_418 : memref<!tpu.dma_semaphore, #tpu.memory_space<semaphore_mem>>) src(%dma_wait3A_416 : memref<100000x128xf32, #tpu.memory_space<hbm>>) dst(%dma_wait3A_411 : memref<32x128xf32, #tpu.memory_space<vmem>>)
    %add3A_419 = arith.constant 480 : i32
    %add3A_420 = arith.addi %mul3A_2, %add3A_419 : i32
    %dma_start3A_421 = arith.constant 1 : i32
    %dma_start3A_422 = arith.constant 1 : i32
    %dma_start3A_423 = arith.constant 0 : i32
    %dma_start3A_424 = arith.constant 0 : i32
    %dma_start3A_425 = tpu.memref_slice %arg10[%dma_start3A_421, %dma_start3A_423, %dma_start3A_424] : memref<7x128x128xf32, #tpu.memory_space<vmem>> -> memref<1x32x128xf32, #tpu.memory_space<vmem>>
    %dma_start3A_426 = tpu.memref_squeeze %dma_start3A_425 : memref<1x32x128xf32, #tpu.memory_space<vmem>> -> memref<32x128xf32, #tpu.memory_space<vmem>>
    %dma_start3A_427 = arith.constant 0 : i32
    %dma_start3A_428 = tpu.memref_slice %arg7[%add3A_420, %dma_start3A_427] : memref<16384x128xf32, #tpu.memory_space<hbm>> -> memref<32x128xf32, #tpu.memory_space<hbm>>
    %dma_start3A_429 = tpu.memref_slice %arg12[%dma_start3A_422] : memref<7x!tpu.dma_semaphore, #tpu.memory_space<semaphore_mem>> -> memref<1x!tpu.dma_semaphore, #tpu.memory_space<semaphore_mem>>
    %dma_start3A_430 = tpu.memref_squeeze %dma_start3A_429 : memref<1x!tpu.dma_semaphore, #tpu.memory_space<semaphore_mem>> -> memref<!tpu.dma_semaphore, #tpu.memory_space<semaphore_mem>>
    %dma_start3A_431 = arith.constant 0 : i32
    %dma_start3A_432 = tpu.memref_slice %arg7[%add3A_420, %dma_start3A_431] : memref<16384x128xf32, #tpu.memory_space<hbm>> -> memref<32x128xf32, #tpu.memory_space<hbm>>
    %dma_start3A_433 = arith.constant 0 : i32
    %dma_start3A_434 = arith.constant 0 : i32
    %dma_start3A_435 = tpu.memref_slice %arg10[%dma_start3A_421, %dma_start3A_433, %dma_start3A_434] : memref<7x128x128xf32, #tpu.memory_space<vmem>> -> memref<1x32x128xf32, #tpu.memory_space<vmem>>
    %dma_start3A_436 = tpu.memref_squeeze %dma_start3A_435 : memref<1x32x128xf32, #tpu.memory_space<vmem>> -> memref<32x128xf32, #tpu.memory_space<vmem>>
    tpu.enqueue_dma source(%dma_start3A_436 : memref<32x128xf32, #tpu.memory_space<vmem>>) target(%dma_start3A_432 : memref<32x128xf32, #tpu.memory_space<hbm>>) target_semaphore(%dma_start3A_430 : memref<!tpu.dma_semaphore, #tpu.memory_space<semaphore_mem>>)
    %dma_wait3A_437 = arith.constant 2 : i32
    %dma_wait3A_438 = arith.constant 2 : i32
    %dma_wait3A_439 = arith.constant 0 : i32
    %dma_wait3A_440 = arith.constant 0 : i32
    %dma_wait3A_441 = tpu.memref_slice %arg10[%dma_wait3A_437, %dma_wait3A_439, %dma_wait3A_440] : memref<7x128x128xf32, #tpu.memory_space<vmem>> -> memref<1x128x128xf32, #tpu.memory_space<vmem>>
    %dma_wait3A_442 = tpu.memref_squeeze %dma_wait3A_441 : memref<1x128x128xf32, #tpu.memory_space<vmem>> -> memref<128x128xf32, #tpu.memory_space<vmem>>
    %dma_wait3A_443 = arith.constant 0 : i32
    %dma_wait3A_444 = tpu.memref_slice %arg6[%add3A_234, %dma_wait3A_443] : memref<16384x128xf32, #tpu.memory_space<hbm>> -> memref<128x128xf32, #tpu.memory_space<hbm>>
    %dma_wait3A_445 = tpu.memref_slice %arg12[%dma_wait3A_438] : memref<7x!tpu.dma_semaphore, #tpu.memory_space<semaphore_mem>> -> memref<1x!tpu.dma_semaphore, #tpu.memory_space<semaphore_mem>>
    %dma_wait3A_446 = tpu.memref_squeeze %dma_wait3A_445 : memref<1x!tpu.dma_semaphore, #tpu.memory_space<semaphore_mem>> -> memref<!tpu.dma_semaphore, #tpu.memory_space<semaphore_mem>>
    %dma_wait3A_447 = arith.constant 0 : i32
    %dma_wait3A_448 = tpu.memref_slice %arg6[%add3A_234, %dma_wait3A_447] : memref<16384x128xf32, #tpu.memory_space<hbm>> -> memref<128x128xf32, #tpu.memory_space<hbm>>
    %dma_wait3A_449 = arith.constant 0 : i32
    %dma_wait3A_450 = arith.constant 0 : i32
    %dma_wait3A_451 = tpu.memref_slice %arg10[%dma_wait3A_437, %dma_wait3A_449, %dma_wait3A_450] : memref<7x128x128xf32, #tpu.memory_space<vmem>> -> memref<1x128x128xf32, #tpu.memory_space<vmem>>
    %dma_wait3A_452 = tpu.memref_squeeze %dma_wait3A_451 : memref<1x128x128xf32, #tpu.memory_space<vmem>> -> memref<128x128xf32, #tpu.memory_space<vmem>>
    tpu.wait_dma2 semaphore(%dma_wait3A_446 : memref<!tpu.dma_semaphore, #tpu.memory_space<semaphore_mem>>) src(%dma_wait3A_452 : memref<128x128xf32, #tpu.memory_space<vmem>>) dst(%dma_wait3A_448 : memref<128x128xf32, #tpu.memory_space<hbm>>)
    %dma_wait3A_453 = arith.constant 3 : i32
    %dma_wait3A_454 = arith.constant 3 : i32
    %dma_wait3A_455 = arith.constant 0 : i32
    %dma_wait3A_456 = arith.constant 0 : i32
    %dma_wait3A_457 = tpu.memref_slice %arg10[%dma_wait3A_453, %dma_wait3A_455, %dma_wait3A_456] : memref<7x128x128xf32, #tpu.memory_space<vmem>> -> memref<1x128x128xf32, #tpu.memory_space<vmem>>
    %dma_wait3A_458 = tpu.memref_squeeze %dma_wait3A_457 : memref<1x128x128xf32, #tpu.memory_space<vmem>> -> memref<128x128xf32, #tpu.memory_space<vmem>>
    %dma_wait3A_459 = arith.constant 0 : i32
    %dma_wait3A_460 = tpu.memref_slice %arg6[%add3A_265, %dma_wait3A_459] : memref<16384x128xf32, #tpu.memory_space<hbm>> -> memref<128x128xf32, #tpu.memory_space<hbm>>
    %dma_wait3A_461 = tpu.memref_slice %arg12[%dma_wait3A_454] : memref<7x!tpu.dma_semaphore, #tpu.memory_space<semaphore_mem>> -> memref<1x!tpu.dma_semaphore, #tpu.memory_space<semaphore_mem>>
    %dma_wait3A_462 = tpu.memref_squeeze %dma_wait3A_461 : memref<1x!tpu.dma_semaphore, #tpu.memory_space<semaphore_mem>> -> memref<!tpu.dma_semaphore, #tpu.memory_space<semaphore_mem>>
    %dma_wait3A_463 = arith.constant 0 : i32
    %dma_wait3A_464 = tpu.memref_slice %arg6[%add3A_265, %dma_wait3A_463] : memref<16384x128xf32, #tpu.memory_space<hbm>> -> memref<128x128xf32, #tpu.memory_space<hbm>>
    %dma_wait3A_465 = arith.constant 0 : i32
    %dma_wait3A_466 = arith.constant 0 : i32
    %dma_wait3A_467 = tpu.memref_slice %arg10[%dma_wait3A_453, %dma_wait3A_465, %dma_wait3A_466] : memref<7x128x128xf32, #tpu.memory_space<vmem>> -> memref<1x128x128xf32, #tpu.memory_space<vmem>>
    %dma_wait3A_468 = tpu.memref_squeeze %dma_wait3A_467 : memref<1x128x128xf32, #tpu.memory_space<vmem>> -> memref<128x128xf32, #tpu.memory_space<vmem>>
    tpu.wait_dma2 semaphore(%dma_wait3A_462 : memref<!tpu.dma_semaphore, #tpu.memory_space<semaphore_mem>>) src(%dma_wait3A_468 : memref<128x128xf32, #tpu.memory_space<vmem>>) dst(%dma_wait3A_464 : memref<128x128xf32, #tpu.memory_space<hbm>>)
    %dma_wait3A_469 = arith.constant 4 : i32
    %dma_wait3A_470 = arith.constant 4 : i32
    %dma_wait3A_471 = arith.constant 0 : i32
    %dma_wait3A_472 = arith.constant 0 : i32
    %dma_wait3A_473 = tpu.memref_slice %arg10[%dma_wait3A_469, %dma_wait3A_471, %dma_wait3A_472] : memref<7x128x128xf32, #tpu.memory_space<vmem>> -> memref<1x128x128xf32, #tpu.memory_space<vmem>>
    %dma_wait3A_474 = tpu.memref_squeeze %dma_wait3A_473 : memref<1x128x128xf32, #tpu.memory_space<vmem>> -> memref<128x128xf32, #tpu.memory_space<vmem>>
    %dma_wait3A_475 = arith.constant 0 : i32
    %dma_wait3A_476 = tpu.memref_slice %arg7[%add3A_296, %dma_wait3A_475] : memref<16384x128xf32, #tpu.memory_space<hbm>> -> memref<128x128xf32, #tpu.memory_space<hbm>>
    %dma_wait3A_477 = tpu.memref_slice %arg12[%dma_wait3A_470] : memref<7x!tpu.dma_semaphore, #tpu.memory_space<semaphore_mem>> -> memref<1x!tpu.dma_semaphore, #tpu.memory_space<semaphore_mem>>
    %dma_wait3A_478 = tpu.memref_squeeze %dma_wait3A_477 : memref<1x!tpu.dma_semaphore, #tpu.memory_space<semaphore_mem>> -> memref<!tpu.dma_semaphore, #tpu.memory_space<semaphore_mem>>
    %dma_wait3A_479 = arith.constant 0 : i32
    %dma_wait3A_480 = tpu.memref_slice %arg7[%add3A_296, %dma_wait3A_479] : memref<16384x128xf32, #tpu.memory_space<hbm>> -> memref<128x128xf32, #tpu.memory_space<hbm>>
    %dma_wait3A_481 = arith.constant 0 : i32
    %dma_wait3A_482 = arith.constant 0 : i32
    %dma_wait3A_483 = tpu.memref_slice %arg10[%dma_wait3A_469, %dma_wait3A_481, %dma_wait3A_482] : memref<7x128x128xf32, #tpu.memory_space<vmem>> -> memref<1x128x128xf32, #tpu.memory_space<vmem>>
    %dma_wait3A_484 = tpu.memref_squeeze %dma_wait3A_483 : memref<1x128x128xf32, #tpu.memory_space<vmem>> -> memref<128x128xf32, #tpu.memory_space<vmem>>
    tpu.wait_dma2 semaphore(%dma_wait3A_478 : memref<!tpu.dma_semaphore, #tpu.memory_space<semaphore_mem>>) src(%dma_wait3A_484 : memref<128x128xf32, #tpu.memory_space<vmem>>) dst(%dma_wait3A_480 : memref<128x128xf32, #tpu.memory_space<hbm>>)
    %dma_wait3A_485 = arith.constant 5 : i32
    %dma_wait3A_486 = arith.constant 5 : i32
    %dma_wait3A_487 = arith.constant 0 : i32
    %dma_wait3A_488 = arith.constant 0 : i32
    %dma_wait3A_489 = tpu.memref_slice %arg10[%dma_wait3A_485, %dma_wait3A_487, %dma_wait3A_488] : memref<7x128x128xf32, #tpu.memory_space<vmem>> -> memref<1x128x128xf32, #tpu.memory_space<vmem>>
    %dma_wait3A_490 = tpu.memref_squeeze %dma_wait3A_489 : memref<1x128x128xf32, #tpu.memory_space<vmem>> -> memref<128x128xf32, #tpu.memory_space<vmem>>
    %dma_wait3A_491 = arith.constant 0 : i32
    %dma_wait3A_492 = tpu.memref_slice %arg7[%add3A_327, %dma_wait3A_491] : memref<16384x128xf32, #tpu.memory_space<hbm>> -> memref<128x128xf32, #tpu.memory_space<hbm>>
    %dma_wait3A_493 = tpu.memref_slice %arg12[%dma_wait3A_486] : memref<7x!tpu.dma_semaphore, #tpu.memory_space<semaphore_mem>> -> memref<1x!tpu.dma_semaphore, #tpu.memory_space<semaphore_mem>>
    %dma_wait3A_494 = tpu.memref_squeeze %dma_wait3A_493 : memref<1x!tpu.dma_semaphore, #tpu.memory_space<semaphore_mem>> -> memref<!tpu.dma_semaphore, #tpu.memory_space<semaphore_mem>>
    %dma_wait3A_495 = arith.constant 0 : i32
    %dma_wait3A_496 = tpu.memref_slice %arg7[%add3A_327, %dma_wait3A_495] : memref<16384x128xf32, #tpu.memory_space<hbm>> -> memref<128x128xf32, #tpu.memory_space<hbm>>
    %dma_wait3A_497 = arith.constant 0 : i32
    %dma_wait3A_498 = arith.constant 0 : i32
    %dma_wait3A_499 = tpu.memref_slice %arg10[%dma_wait3A_485, %dma_wait3A_497, %dma_wait3A_498] : memref<7x128x128xf32, #tpu.memory_space<vmem>> -> memref<1x128x128xf32, #tpu.memory_space<vmem>>
    %dma_wait3A_500 = tpu.memref_squeeze %dma_wait3A_499 : memref<1x128x128xf32, #tpu.memory_space<vmem>> -> memref<128x128xf32, #tpu.memory_space<vmem>>
    tpu.wait_dma2 semaphore(%dma_wait3A_494 : memref<!tpu.dma_semaphore, #tpu.memory_space<semaphore_mem>>) src(%dma_wait3A_500 : memref<128x128xf32, #tpu.memory_space<vmem>>) dst(%dma_wait3A_496 : memref<128x128xf32, #tpu.memory_space<hbm>>)
    %dma_wait3A_501 = arith.constant 6 : i32
    %dma_wait3A_502 = arith.constant 6 : i32
    %dma_wait3A_503 = arith.constant 0 : i32
    %dma_wait3A_504 = arith.constant 0 : i32
    %dma_wait3A_505 = tpu.memref_slice %arg10[%dma_wait3A_501, %dma_wait3A_503, %dma_wait3A_504] : memref<7x128x128xf32, #tpu.memory_space<vmem>> -> memref<1x128x128xf32, #tpu.memory_space<vmem>>
    %dma_wait3A_506 = tpu.memref_squeeze %dma_wait3A_505 : memref<1x128x128xf32, #tpu.memory_space<vmem>> -> memref<128x128xf32, #tpu.memory_space<vmem>>
    %dma_wait3A_507 = arith.constant 0 : i32
    %dma_wait3A_508 = tpu.memref_slice %arg7[%add3A_358, %dma_wait3A_507] : memref<16384x128xf32, #tpu.memory_space<hbm>> -> memref<128x128xf32, #tpu.memory_space<hbm>>
    %dma_wait3A_509 = tpu.memref_slice %arg12[%dma_wait3A_502] : memref<7x!tpu.dma_semaphore, #tpu.memory_space<semaphore_mem>> -> memref<1x!tpu.dma_semaphore, #tpu.memory_space<semaphore_mem>>
    %dma_wait3A_510 = tpu.memref_squeeze %dma_wait3A_509 : memref<1x!tpu.dma_semaphore, #tpu.memory_space<semaphore_mem>> -> memref<!tpu.dma_semaphore, #tpu.memory_space<semaphore_mem>>
    %dma_wait3A_511 = arith.constant 0 : i32
    %dma_wait3A_512 = tpu.memref_slice %arg7[%add3A_358, %dma_wait3A_511] : memref<16384x128xf32, #tpu.memory_space<hbm>> -> memref<128x128xf32, #tpu.memory_space<hbm>>
    %dma_wait3A_513 = arith.constant 0 : i32
    %dma_wait3A_514 = arith.constant 0 : i32
    %dma_wait3A_515 = tpu.memref_slice %arg10[%dma_wait3A_501, %dma_wait3A_513, %dma_wait3A_514] : memref<7x128x128xf32, #tpu.memory_space<vmem>> -> memref<1x128x128xf32, #tpu.memory_space<vmem>>
    %dma_wait3A_516 = tpu.memref_squeeze %dma_wait3A_515 : memref<1x128x128xf32, #tpu.memory_space<vmem>> -> memref<128x128xf32, #tpu.memory_space<vmem>>
    tpu.wait_dma2 semaphore(%dma_wait3A_510 : memref<!tpu.dma_semaphore, #tpu.memory_space<semaphore_mem>>) src(%dma_wait3A_516 : memref<128x128xf32, #tpu.memory_space<vmem>>) dst(%dma_wait3A_512 : memref<128x128xf32, #tpu.memory_space<hbm>>)
    %dma_wait3A_517 = arith.constant 0 : i32
    %dma_wait3A_518 = arith.constant 0 : i32
    %dma_wait3A_519 = arith.constant 0 : i32
    %dma_wait3A_520 = arith.constant 0 : i32
    %dma_wait3A_521 = tpu.memref_slice %arg10[%dma_wait3A_517, %dma_wait3A_519, %dma_wait3A_520] : memref<7x128x128xf32, #tpu.memory_space<vmem>> -> memref<1x96x128xf32, #tpu.memory_space<vmem>>
    %dma_wait3A_522 = tpu.memref_squeeze %dma_wait3A_521 : memref<1x96x128xf32, #tpu.memory_space<vmem>> -> memref<96x128xf32, #tpu.memory_space<vmem>>
    %dma_wait3A_523 = arith.constant 0 : i32
    %dma_wait3A_524 = tpu.memref_slice %arg7[%add3A_389, %dma_wait3A_523] : memref<16384x128xf32, #tpu.memory_space<hbm>> -> memref<96x128xf32, #tpu.memory_space<hbm>>
    %dma_wait3A_525 = tpu.memref_slice %arg12[%dma_wait3A_518] : memref<7x!tpu.dma_semaphore, #tpu.memory_space<semaphore_mem>> -> memref<1x!tpu.dma_semaphore, #tpu.memory_space<semaphore_mem>>
    %dma_wait3A_526 = tpu.memref_squeeze %dma_wait3A_525 : memref<1x!tpu.dma_semaphore, #tpu.memory_space<semaphore_mem>> -> memref<!tpu.dma_semaphore, #tpu.memory_space<semaphore_mem>>
    %dma_wait3A_527 = arith.constant 0 : i32
    %dma_wait3A_528 = tpu.memref_slice %arg7[%add3A_389, %dma_wait3A_527] : memref<16384x128xf32, #tpu.memory_space<hbm>> -> memref<96x128xf32, #tpu.memory_space<hbm>>
    %dma_wait3A_529 = arith.constant 0 : i32
    %dma_wait3A_530 = arith.constant 0 : i32
    %dma_wait3A_531 = tpu.memref_slice %arg10[%dma_wait3A_517, %dma_wait3A_529, %dma_wait3A_530] : memref<7x128x128xf32, #tpu.memory_space<vmem>> -> memref<1x96x128xf32, #tpu.memory_space<vmem>>
    %dma_wait3A_532 = tpu.memref_squeeze %dma_wait3A_531 : memref<1x96x128xf32, #tpu.memory_space<vmem>> -> memref<96x128xf32, #tpu.memory_space<vmem>>
    tpu.wait_dma2 semaphore(%dma_wait3A_526 : memref<!tpu.dma_semaphore, #tpu.memory_space<semaphore_mem>>) src(%dma_wait3A_532 : memref<96x128xf32, #tpu.memory_space<vmem>>) dst(%dma_wait3A_528 : memref<96x128xf32, #tpu.memory_space<hbm>>)
    %dma_wait3A_533 = arith.constant 1 : i32
    %dma_wait3A_534 = arith.constant 1 : i32
    %dma_wait3A_535 = arith.constant 0 : i32
    %dma_wait3A_536 = arith.constant 0 : i32
    %dma_wait3A_537 = tpu.memref_slice %arg10[%dma_wait3A_533, %dma_wait3A_535, %dma_wait3A_536] : memref<7x128x128xf32, #tpu.memory_space<vmem>> -> memref<1x32x128xf32, #tpu.memory_space<vmem>>
    %dma_wait3A_538 = tpu.memref_squeeze %dma_wait3A_537 : memref<1x32x128xf32, #tpu.memory_space<vmem>> -> memref<32x128xf32, #tpu.memory_space<vmem>>
    %dma_wait3A_539 = arith.constant 0 : i32
    %dma_wait3A_540 = tpu.memref_slice %arg7[%add3A_420, %dma_wait3A_539] : memref<16384x128xf32, #tpu.memory_space<hbm>> -> memref<32x128xf32, #tpu.memory_space<hbm>>
    %dma_wait3A_541 = tpu.memref_slice %arg12[%dma_wait3A_534] : memref<7x!tpu.dma_semaphore, #tpu.memory_space<semaphore_mem>> -> memref<1x!tpu.dma_semaphore, #tpu.memory_space<semaphore_mem>>
    %dma_wait3A_542 = tpu.memref_squeeze %dma_wait3A_541 : memref<1x!tpu.dma_semaphore, #tpu.memory_space<semaphore_mem>> -> memref<!tpu.dma_semaphore, #tpu.memory_space<semaphore_mem>>
    %dma_wait3A_543 = arith.constant 0 : i32
    %dma_wait3A_544 = tpu.memref_slice %arg7[%add3A_420, %dma_wait3A_543] : memref<16384x128xf32, #tpu.memory_space<hbm>> -> memref<32x128xf32, #tpu.memory_space<hbm>>
    %dma_wait3A_545 = arith.constant 0 : i32
    %dma_wait3A_546 = arith.constant 0 : i32
    %dma_wait3A_547 = tpu.memref_slice %arg10[%dma_wait3A_533, %dma_wait3A_545, %dma_wait3A_546] : memref<7x128x128xf32, #tpu.memory_space<vmem>> -> memref<1x32x128xf32, #tpu.memory_space<vmem>>
    %dma_wait3A_548 = tpu.memref_squeeze %dma_wait3A_547 : memref<1x32x128xf32, #tpu.memory_space<vmem>> -> memref<32x128xf32, #tpu.memory_space<vmem>>
    tpu.wait_dma2 semaphore(%dma_wait3A_542 : memref<!tpu.dma_semaphore, #tpu.memory_space<semaphore_mem>>) src(%dma_wait3A_548 : memref<32x128xf32, #tpu.memory_space<vmem>>) dst(%dma_wait3A_544 : memref<32x128xf32, #tpu.memory_space<hbm>>)
    return
  }
}

</mosaic_0001>

<sc_bundles>
// kernel: _gather2.3.cloned.1.call-start
scs
__scs_entry_jumppad:
0x0: {  	(pc) =	sbr.rel $0x88, $3  }
0x1: {  	(tag) =	ssettag $0x0;
	lr =	simm.s32 $0x1  }
0x2: {  	[smem:$0x3F9D] =	sst lr;
	_ =	strace $0xD0000000  }
0x3: {  	_ = 	snop  }
0x4: {  	_ = 	snop  }
0x5: {  	_ = 	snop  }
0x6: {  	_ = 	snop  }
0x7: {  	_ = 	snop  }
__scs_overlays_trampoline_lowered:
0x8: {  	[smem:$0x3FAC] =	sst s0  }
0x9: {  	[smem:$0x3FAD] =	sst s1  }
0xa: {  	[smem:$0x3FAE] =	sst s2  }
0xb: {  	[smem:$0x3FAF] =	sst s3  }
0xc: {  	[smem:$0x3FB0] =	sst s4  }
0xd: {  	[smem:$0x3FB1] =	sst s5  }
0xe: {  	[smem:$0x3FB2] =	sst s6  }
0xf: {  	[smem:$0x3FB3] =	sst s7  }
0x10: {  	[smem:$0x3FB4] =	sst s8  }
0x11: {  	[smem:$0x3FB5] =	sst s9;
	s0 =	simm.s32 @!p0 $0x0  }
0x12: {  	s1 =	sld [smem:$0x3F9B];
	s0 =	simm.s32 @p0 $0x1  }
0x13: {  	[smem:$0x3FB6] =	sst s0;
	s0 =	simm.s32 @!p1 $0x0  }
0x14: {  	s2 =	sld [smem:$0x3F9A];
	s0 =	simm.s32 @p1 $0x1  }
0x15: {  	[smem:$0x3FB7] =	sst s0;
	s0 =	simm.s32 @!p2 $0x0  }
0x16: {  	s3 =	sld [smem:$0x3FDB];
	s0 =	simm.s32 @p2 $0x1  }
0x17: {  	s4 =	simm.s32 $0x1BF5;
	[smem:$0x3FB9] =	sst s0  }
0x18: {  	s0 =	sld [smem:$0x3F9C];
	_ =	swait.ge [sflag:s4], $0x0  }
0x19: {  	s7 =	sld [smem:$0x3F9D]  }
0x1a: {  	s8 =	sadd.s32 $0xFFFFE003, lr  }
0x1b: {  	s9 =	sadd.s32 $0xFFFFFEF7, lr;
	s5 =	simm.s32 $0xFFFFFFFF;
	p2 =	slt.u32 s8, $0xFFFFF086  }
0x1c: {  	p1 =	slt.u32 s9, $0xF7A;
	s5 =	simm.s32 @!p2 $0x0  }
0x1d: {  	s5 =	simm.s32 @p1 $0x1;
	p0 =	seq.s32 s7, s2  }
0x1e: {  	s7 =	smul.u32 @!p0 $0xF7A, s2;
	p2 =	seq.s32 @!p0 s5, $0x0  }
0x1f: {  	s9 =	smul.u32 $0xF7A, s1;
	s8 =	simm.s32 @!p0 $0x1BF5;
	p2 =	por !p2, p0  }
0x20: {  	[sflag:s8] =	ssyncset.s32 @!p0 $0xFFFFF086;
	s6 =	sadd.s32 @!p0 s3, s7;
	s7 =	simm.s32 @!p0 $0x108  }
0x21: {  	s3 =	sadd.s32 s3, s9;
	s6 =	sadd.s32 @!p0 $0x88, s6;
	s7 =	simm.s32 @p2 $0x1082  }
0x22: {  	[simem:s7], [sflag:s8] =	dma.local @!p0 [hbm:s6], $0xF7A  }
0x23: {  	s9 =	sor.u32 $0xD0000000, s2;
	s6 =	simm.s32 $0x108;
	_ =	swait.ge @!p0 [sflag:s8], $0x0  }
0x24: {  	s3 =	sadd.s32 $0x88, s3;
	s6 =	simm.s32 @!p1 $0x1082;
	[sflag:s4] =	ssyncset.s32 $0xFFFFF086  }
0x25: {  	[simem:s6], [sflag:s4] =	dma.local [hbm:s3], $0xF7A  }
0x26: {  	[smem:$0x3F9D] =	sst s1;
	(tag) =	ssettag s2;
	_ =	strace s9  }
0x27: {  	s1 =	sld [smem:$0x3FAD]  }
0x28: {  	s2 =	sld [smem:$0x3FAE]  }
0x29: {  	s4 =	sld [smem:$0x3FB0]  }
0x2a: {  	p0 =	seq.s32 s5, $0x0;
	s5 =	sld [smem:$0x3FB1]  }
0x2b: {  	s6 =	sld [smem:$0x3FB2]  }
0x2c: {  	s7 =	sld [smem:$0x3FB3]  }
0x2d: {  	s3 =	simm.s32 $0x108;
	s8 =	sld [smem:$0x3FB4]  }
0x2e: {  	s3 =	simm.s32 @!p0 $0x1082;
	s9 =	sld [smem:$0x3FB5]  }
0x2f: {  	lr =	sadd.s32 s0, s3;
	s0 =	sld [smem:$0x3FAC]  }
0x30: {  	s3 =	sld [smem:$0x3FAF]  }
0x31: {  	[smem:$0x3FB8] =	sst s10  }
0x32: {  	s10 =	sld [smem:$0x3FB6];
	_ =	sdelay $0x3  }
0x33: {  	p0 =	seq.s32 s10, $0x1;
	s10 =	sld [smem:$0x3FB8];
	_ =	sdelay $0x3  }
0x34: {  	[smem:$0x3FB8] =	sst s10  }
0x35: {  	s10 =	sld [smem:$0x3FB7];
	_ =	sdelay $0x3  }
0x36: {  	p1 =	seq.s32 s10, $0x1;
	s10 =	sld [smem:$0x3FB8];
	_ =	sdelay $0x3  }
0x37: {  	[smem:$0x3FB8] =	sst s10  }
0x38: {  	s10 =	sld [smem:$0x3FB9]  }
0x39: {  	_ = 	snop;
	(pc) =	sbr.ind lr, $3  }
0x3a: {  	_ = 	snop  }
0x3b: {  	_ = 	snop  }
0x3c: {  	p2 =	seq.s32 s10, $0x1;
	s10 =	sld [smem:$0x3FB8]  }
0x3d: {  	_ =	shalt  }
0x3e: {  	_ =	shalt  }
0x3f: {  	_ =	shalt  }
0x40: {  	_ =	shalt  }
0x41: {  	_ =	shalt  }
0x42: {  	_ =	shalt  }
0x43: {  	_ =	shalt  }
0x44: {  	_ =	shalt  }
0x45: {  	_ =	shalt  }
0x46: {  	_ =	shalt  }
0x47: {  	_ =	shalt  }
0x48: {  	_ =	shalt  }
0x49: {  	_ =	shalt  }
0x4a: {  	_ =	shalt  }
0x4b: {  	_ =	shalt  }
0x4c: {  	_ =	shalt  }
0x4d: {  	_ =	shalt  }
0x4e: {  	_ =	shalt  }
0x4f: {  	_ =	shalt  }
0x50: {  	_ =	shalt  }
0x51: {  	_ =	shalt  }
0x52: {  	_ =	shalt  }
0x53: {  	_ =	shalt  }
0x54: {  	_ =	shalt  }
0x55: {  	_ =	shalt  }
0x56: {  	_ =	shalt  }
0x57: {  	_ =	shalt  }
0x58: {  	_ =	shalt  }
0x59: {  	_ =	shalt  }
0x5a: {  	_ =	shalt  }
0x5b: {  	_ =	shalt  }
0x5c: {  	_ =	shalt  }
0x5d: {  	_ =	shalt  }
0x5e: {  	_ =	shalt  }
0x5f: {  	_ =	shalt  }
0x60: {  	_ =	shalt  }
0x61: {  	_ =	shalt  }
0x62: {  	_ =	shalt  }
0x63: {  	_ =	shalt  }
0x64: {  	_ =	shalt  }
0x65: {  	_ =	shalt  }
0x66: {  	_ =	shalt  }
0x67: {  	_ =	shalt  }
0x68: {  	_ =	shalt  }
0x69: {  	_ =	shalt  }
0x6a: {  	_ =	shalt  }
0x6b: {  	_ =	shalt  }
0x6c: {  	_ =	shalt  }
0x6d: {  	_ =	shalt  }
0x6e: {  	_ =	shalt  }
0x6f: {  	_ =	shalt  }
0x70: {  	_ =	shalt  }
0x71: {  	_ =	shalt  }
0x72: {  	_ =	shalt  }
0x73: {  	_ =	shalt  }
0x74: {  	_ =	shalt  }
0x75: {  	_ =	shalt  }
0x76: {  	_ =	shalt  }
0x77: {  	_ =	shalt  }
0x78: {  	_ =	shalt  }
0x79: {  	_ =	shalt  }
0x7a: {  	_ =	shalt  }
0x7b: {  	_ =	shalt  }
0x7c: {  	_ =	shalt  }
0x7d: {  	_ =	shalt  }
0x7e: {  	_ =	shalt  }
0x7f: {  	_ =	shalt  }
0x80: {  	_ =	shalt  }
0x81: {  	_ =	shalt  }
0x82: {  	_ =	shalt  }
0x83: {  	_ =	shalt  }
0x84: {  	_ =	shalt  }
0x85: {  	_ =	shalt  }
0x86: {  	_ =	shalt  }
0x87: {  	_ =	shalt  }
.Lfunc_end0:
.L_simem_size_0:
called_computation_lowered:
.L_overlay_start_0:
0x88: {  	s2 =	sld [smem:$0x3FD9]  }
0x89: {  	s3 =	sld [smem:$0x3FFE];
	_ =	sdelay $0x1  }
0x8a: {  	s1 =	srdreg.scid  }
0x8b: {  	s0 =	sand.u32 $0x1, s1  }
0x8c: {  	s15 =	sshll.u32 s0, $0xA;
	s2 =	sadd.s32 s3, s2  }
0x8d: {  	s2 =	sadd.s32 s2, s15  }
0x8e: {  	[smem:$0x3FC4] =	sst s2  }
0x8f: {  	_ = 	snop  }
0x90: {  	s2 =	sld [smem:$0x3FC9]  }
0x91: {  	s16 =	sld [smem:$0x3FD0]  }
0x92: {  	s4 =	sld [smem:$0x3FC8]  }
0x93: {  	s5 =	sld [smem:$0x3FC7]  }
0x94: {  	s7 =	simm.s32 $0xA;
	s8 =	simm.s32 $0x10;
	s6 =	sld [smem:$0x3FC6]  }
0x95: {  	[smem:s8], [sflag:s7] =	dma.local [hbm:s16], $0x1  }
0x96: {  	_ =	swait.eq [sflag:s7], $0x1  }
0x97: {  	[sflag:s7] =	ssyncset.done $0x0  }
0x98: {  	s17 =	sld [smem:$0x10];
	[sflag:s7] =	ssyncadd.s32 $0xFFFFFFFF  }
0x99: {  	s18 =	sld [smem:$0x11];
	(tm) =	ssettm $0x1  }
0x9a: {  	s19 =	sld [smem:$0x3FFB];
	_ =	sdelay $0x3  }
0x9b: {  	_ =	strace s19  }
0x9c: {  	s8 =	sld [smem:$0x3FFC];
	_ =	sdelay $0x3  }
0x9d: {  	_ =	strace s8  }
0x9e: {  	s8 =	sld [smem:$0x3FFD];
	_ =	sdelay $0x3  }
0x9f: {  	_ =	strace s8  }
0xa0: {  	_ =	strace $0x8FFFFFFF  }
0xa1: {  	s20 =	sld [smem:$0x3FDB];
	_ =	sdelay $0x1  }
0xa2: {  	s9 =	simm.s32 $_scs_section_size  }
0xa3: {  	s10 =	simm.s32 $_size__tile_overlayer_lowered;
	s11 =	simm.s32 $_tile_overlayer_lowered  }
0xa4: {  	s23 =	simm.s32 $0x1BFF;
	s22 =	sshll.u32 s11, $0x1;
	s8 =	sadd.s32 s9, s20  }
0xa5: {  	s12 =	simm.s32 $0x0;
	s21 =	sshll.u32 s10, $0x1;
	s10 =	sadd.s32 s22, s8  }
0xa6: {  	[timem:s12], [sflag:s23] =	dma.local [hbm:s10], s21  }
0xa7: {  	_ =	swait.ge [sflag:s23], s21  }
0xa8: {  	s9 =	ssub.s32 $0x0, s21;
	[sflag:s23] =	ssyncset.done $0x0  }
0xa9: {  	[sflag:s23] =	ssyncadd.s32 s9;
	_ =	sdelay $0x1  }
0xaa: {  	s24 =	simm.s32 $0x1B8B  }
0xab: {  	_ =	swait.ge [sflag:s24], $0x1  }
0xac: {  	[sflag:s24] =	ssyncset.done $0x0  }
0xad: {  	s25 =	simm.s32 $0x1B8E;
	[sflag:s24] =	ssyncadd.s32 $0xFFFFFFFF  }
0xae: {  	s26 =	simm.s32 $execute0_lowered;
	[smem:$0x3FD2] =	sst s25  }
0xaf: {  	s9 =	sshll.u32 s26, $0x1;
	_ =	strace $0x80000046;
	[dreg:$0x1] =	wrdreg $0xFFFFFFFF  }
0xb0: {  	s28 =	simm.s32 $_size_execute0_lowered;
	s8 =	sadd.s32 s8, s9;
	[dreg:$0x0] =	wrdreg $0x0  }
0xb1: {  	s9 =	sshll.u32 s28, $0x1;
	[dreg:$0x2] =	wrdreg s8  }
0xb2: {  	[dreg:$0x3] =	wrdreg s9  }
0xb3: {  	[dreg:$0x4] =	wrdreg $0xC0  }
0xb4: {  	_ =	task [dreg:s12], $0x5FFFF  }
0xb5: {  	[dreg:$0x1] =	wrdreg $0xFFFFFFFF  }
0xb6: {  	[dreg:$0x0] =	wrdreg $0x60  }
0xb7: {  	[dreg:$0x2] =	wrdreg s2  }
0xb8: {  	[dreg:$0x3] =	wrdreg s4  }
0xb9: {  	[dreg:$0x4] =	wrdreg s5  }
0xba: {  	[dreg:$0x5] =	wrdreg s6  }
0xbb: {  	[dreg:$0x6] =	wrdreg s17  }
0xbc: {  	[dreg:$0x7] =	wrdreg s18  }
0xbd: {  	[dreg:$0x8] =	wrdreg $0x9  }
0xbe: {  	_ =	task.clear_ibuf [dreg:s12], $0x9FFFF;
	_ =	strace $0x90000046  }
0xbf: {  	s29 =	simm.s32 $0x9;
	_ =	strace $0x80000048  }
0xc0: {  	_ =	swait.ge [sflag:s29], $0x1  }
0xc1: {  	[sflag:s29] =	ssyncadd.s32 $0xFFFFFFFF  }
0xc2: {  	_ =	strace $0x90000048  }
0xc3: {  	_ =	sfence  }
0xc4: {  	s30 =	sld [smem:$0x0];
	_ =	sdelay $0x2  }
0xc5: {  	s31 =	sshll.u32 s1, $0xD;
	s1 =	sshrl.u32 s1, $0x2  }
0xc6: {  	s3 =	sand.u32 $0x4000, s31;
	s1 =	sadd.s32 s1, s30  }
0xc7: {  	s0 =	sor.u32 s3, s0;
	s1 =	sshll.u32 s1, $0x11  }
0xc8: {  	s0 =	sor.u32 s1, s0  }
0xc9: {  	s0 =	sadd.s32 $0x8F2B, s0  }
0xca: {  	[sflag:s0] =	ssyncadd.remote.s32 $0x1  }
0xcb: {  	_ =	sfence.sel $0xFFFF  }
0xcc: {  	[dreg:$0x0] =	wrdreg $0xFFFFFFFF;
	(pc) =	sbr.abs _section_cstart, $3  }
0xcd: {  	[dreg:$0x1] =	wrdreg $0xFFFFFFFF  }
0xce: {  	_ =	task.clear_ibuf [dreg:s12], $0x2FFFF;
	_ =	strace $0x9FFFFFFF  }
0xcf: {  	(tm) =	ssettm $0x7FFFFFFF  }
tec
execute0_lowered:
.L_overlay_start_1:
0x0: {  	(tag) =	ssettag $0x1  }
0x1: {  	s1 =	rddreg [dreg:$0x0]  }
0x2: {  	s4 =	rddreg [dreg:$0x1]  }
0x3: {  	s9 =	rddreg [dreg:$0x2]  }
0x4: {  	s3 =	rddreg [dreg:$0x3]  }
0x5: {  	s2 =	srdreg.scid;
	s5 =	rddreg [dreg:$0x4]  }
0x6: {  	s30 =	stileid.u32;
	s7 =	rddreg [dreg:$0x5];
	s28 =	simm.s32 $0x200  }
0x7: {  	s31 =	simm.s32 $0xF;
	s18 =	simm.s32 $0x100;
	s19 =	simm.s32 $0x180  }
0x8: {  	s17 =	simm.s32 $0x10400;
	s29 =	simm.s32 $0x3;
	p0 =	por $0x0, $0x0  }
0x9: {  	s6 =	sand.u32 $0x1, s2;
	s8 =	sshll.u32 s30, $0xA;
	s2 =	simm.s32 $0x0  }
0xa: {  	s10 =	sshll.u32 s6, $0x9;
	[smem:$0x7FF] =	sst s2;
	s0 =	ssub.s32 $0x2, s6  }
0xb: {  	s8 =	sor.u32 s10, s8;
	_ =	strace $0x80000047;
	[dreg:$0x11] =	wrdreg s18  }
0xc: {  	s6 =	sshrl.u32 s0, $0x1;
	[dreg:$0x12] =	wrdreg s19;
	s19 =	simm.s32 $0xC400  }
0xd: {  	s18 =	simm.s32 $0xB;
	s10 =	sshrl.u32 s8, $0x3;
	s21 =	sshll.u32 s8, $0x4  }
0xe: {  	s14 =	ssub.s32 s0, s6;
	s6 =	simm.s32 $0x9;
	s1 =	sadd.s32 s1, s10  }
0xf: {  	s20 =	sadd.s32 s4, s10;
	s22 =	sadd.s32 s5, s21;
	s8 =	sor.u32 $0x800, s21  }
0x10: {  	s24 =	sor.u32 $0x1000, s21;
	s11 =	sor.u32 $0x1800, s21;
	[dreg:$0x7] =	wrdreg s1  }
0x11: {  	s16 =	smax.u32 s14, $0x1;
	s4 =	simm.s32 $0x4400;
	[dreg:$0x8] =	wrdreg s20  }
0x12: {  	s10 =	simm.s32 $0x2;
	s14 =	simm.s32 $0xD;
	[dreg:$0x9] =	wrdreg s22  }
0x13: {  	s23 =	sadd.s32 s5, s8;
	s25 =	sadd.s32 s5, s24;
	s26 =	sadd.s32 s5, s11  }
0x14: {  	s8 =	sadd.s32 s7, s8;
	s12 =	sadd.s32 s7, s24;
	[dreg:$0xa] =	wrdreg s23  }
0x15: {  	s13 =	sadd.s32 s7, s11;
	s20 =	simm.s32 $0x280;
	[dreg:$0xb] =	wrdreg s25  }
0x16: {  	s22 =	simm.s32 $0x300;
	s24 =	simm.s32 $0x380;
	[dreg:$0xc] =	wrdreg s26  }
0x17: {  	s5 =	simm.s32 $0x8;
	p1 =	sne.s32 s16, $0x1;
	[dreg:$0xd] =	wrdreg s8  }
0x18: {  	s0 =	sadd.s32 $0xFFFFFFFF, s16;
	s16 =	simm.s32 $0xC;
	[dreg:$0xe] =	wrdreg s12  }
0x19: {  	s11 =	simm.s32 $0xE;
	s8 =	sadd.s32 s7, s21;
	[dreg:$0xf] =	wrdreg s13  }
0x1a: {  	s26 =	simm.s32 $0x80;
	s7 =	simm.s32 $0x400;
	[dreg:$0x13] =	wrdreg s20  }
0x1b: {  	s21 =	simm.s32 $0x8400;
	[dreg:$0x14] =	wrdreg s22;
	s23 =	simm.s32 $0x60  }
.Ltmp0:
0x1c: {  	s13 =	simm.s32 $0x18400;
	s12 =	simm.s32 $0x1;
	(pc) =	sbr.rel @!p1 .LBB2_5-.Ltmp0, $4  }
0x1d: {  	[dreg:$0x16] =	wrdreg s24;
	s25 =	simm.s32 $0x20;
	s24 =	simm.s32 $0x5  }
0x1e: {  	s22 =	simm.s32 $0x7;
	s20 =	simm.s32 $0xA;
	[dreg:$0x15] =	wrdreg s23  }
0x1f: {  	s15 =	sadd.s32 $0x1E00, s8;
	[dreg:$0x17] =	wrdreg s25;
	s25 =	simm.s32 $0x4  }
0x20: {  	s23 =	simm.s32 $0x6;
	[dreg:$0x10] =	wrdreg s15;
	s15 =	simm.s32 $0x14400  }
0x21: {  	s30 =	smov.u32 s0;
	s0 =	rddreg [dreg:$0x7]  }
0x22: {  	[tilespmem:s2], [sflag:$0xF] =	stream.linear.gather [hbm4b:s0+s2], $0x200, $0x38;
	[tilespmem:$0x1C400] =	vst v63  }
0x23: {  	s1 =	rddreg [dreg:$0x8]  }
0x24: {  	[tilespmem:s28], [sflag:$0xF] =	stream.linear.gather [hbm4b:s1+s2], $0x200, $0x38;
	[tilespmem:$0x1C400] =	vst v63  }
0x25: {  	_ =	swait.ge [sflag:s31], $0x200  }
0x26: {  	[sflag:s31] =	ssyncset.done $0x0  }
0x27: {  	[sflag:s31] =	ssyncadd.s32 $0xFFFFFE00  }
0x28: {  	_ =	swait.ge [sflag:s31], $0x200  }
0x29: {  	[sflag:s31] =	ssyncset.done $0x0  }
0x2a: {  	[sflag:s31] =	ssyncadd.s32 $0xFFFFFE00  }
0x2b: {  	[tilespmem:s7], [sflag:$0x1] =	stream.indirect.gather [hbm4b:s9+s26], $0x80, s2, s26, $0xb8;
	[tilespmem:$0x1C400] =	vst v63  }
0x2c: {  	_ = 	snop  }
0x2d: {  	[tilespmem:s4], [sflag:$0x2] =	stream.indirect.gather [hbm4b:s9+s26], $0x80, s26, s26, $0xb8;
	[tilespmem:$0x1C400] =	vst v63  }
0x2e: {  	s0 =	rddreg [dreg:$0x11]  }
0x2f: {  	[tilespmem:s21], [sflag:$0x3] =	stream.indirect.gather [hbm4b:s9+s26], $0x80, s0, s26, $0xb8;
	[tilespmem:$0x1C400] =	vst v63  }
0x30: {  	s1 =	rddreg [dreg:$0x12]  }
0x31: {  	[tilespmem:s19], [sflag:$0x4] =	stream.indirect.gather [hbm4b:s9+s26], $0x80, s1, s26, $0xb8;
	[tilespmem:$0x1C400] =	vst v63  }
0x32: {  	_ = 	snop  }
0x33: {  	[tilespmem:s17], [sflag:$0x5] =	stream.indirect.gather [hbm4b:s3+s26], $0x80, s28, s26, $0xb8;
	[tilespmem:$0x1C400] =	vst v63  }
0x34: {  	s0 =	rddreg [dreg:$0x13]  }
0x35: {  	[tilespmem:s15], [sflag:$0x6] =	stream.indirect.gather [hbm4b:s3+s26], $0x80, s0, s26, $0xb8;
	[tilespmem:$0x1C400] =	vst v63  }
0x36: {  	s1 =	rddreg [dreg:$0x14]  }
0x37: {  	[tilespmem:s13], [sflag:$0x7] =	stream.indirect.gather [hbm4b:s3+s26], $0x80, s1, s26, $0xb8;
	[tilespmem:$0x1C400] =	vst v63  }
0x38: {  	_ =	swait.ge [sflag:s12], $0x4000  }
0x39: {  	[sflag:s12] =	ssyncset.done $0x0  }
0x3a: {  	s1 =	rddreg [dreg:$0x9];
	[sflag:s12] =	ssyncadd.s32 $0xFFFFC000  }
0x3b: {  	[hbm4b:s1+s2] =	stream.linear.scatter [tilespmem:s7], [sflag:$0x8], $0x4000, $0x38;
	[tilespmem:$0x1C400] =	vst v63  }
0x3c: {  	_ =	swait.ge [sflag:s5], $0x4000  }
0x3d: {  	s0 =	rddreg [dreg:$0x15];
	[sflag:s5] =	ssyncset.done $0x0  }
0x3e: {  	s1 =	rddreg [dreg:$0x16];
	[sflag:s5] =	ssyncadd.s32 $0xFFFFC000  }
0x3f: {  	[tilespmem:s7], [sflag:$0x1] =	stream.indirect.gather [hbm4b:s3+s0], $0x80, s1, s0, $0xb8;
	[tilespmem:$0x1C400] =	vst v63  }
0x40: {  	_ =	swait.ge [sflag:s10], $0x4000  }
0x41: {  	[sflag:s10] =	ssyncset.done $0x0  }
0x42: {  	s1 =	rddreg [dreg:$0xa];
	[sflag:s10] =	ssyncadd.s32 $0xFFFFC000  }
0x43: {  	[hbm4b:s1+s2] =	stream.linear.scatter [tilespmem:s4], [sflag:$0x9], $0x4000, $0x38;
	[tilespmem:$0x1C400] =	vst v63  }
0x44: {  	_ =	swait.ge [sflag:s6], $0x4000  }
0x45: {  	[sflag:s6] =	ssyncset.done $0x0  }
0x46: {  	s1 =	simm.s32 $0x3E0;
	s0 =	rddreg [dreg:$0x17];
	[sflag:s6] =	ssyncadd.s32 $0xFFFFC000  }
0x47: {  	[tilespmem:s4], [sflag:$0x2] =	stream.indirect.gather [hbm4b:s3+s0], $0x80, s1, s0, $0xb8;
	[tilespmem:$0x1C400] =	vst v63  }
0x48: {  	_ =	swait.ge [sflag:s29], $0x4000  }
0x49: {  	[sflag:s29] =	ssyncset.done $0x0  }
0x4a: {  	s1 =	rddreg [dreg:$0xb];
	[sflag:s29] =	ssyncadd.s32 $0xFFFFC000  }
0x4b: {  	[hbm4b:s1+s2] =	stream.linear.scatter [tilespmem:s21], [sflag:$0xA], $0x4000, $0x38;
	[tilespmem:$0x1C400] =	vst v63  }
0x4c: {  	_ =	swait.ge [sflag:s25], $0x4000  }
0x4d: {  	[sflag:s25] =	ssyncset.done $0x0  }
0x4e: {  	s1 =	rddreg [dreg:$0xc];
	[sflag:s25] =	ssyncadd.s32 $0xFFFFC000  }
0x4f: {  	[hbm4b:s1+s2] =	stream.linear.scatter [tilespmem:s19], [sflag:$0xB], $0x4000, $0x38;
	[tilespmem:$0x1C400] =	vst v63  }
0x50: {  	_ =	swait.ge [sflag:s24], $0x4000  }
0x51: {  	[sflag:s24] =	ssyncset.done $0x0  }
0x52: {  	[sflag:s24] =	ssyncadd.s32 $0xFFFFC000  }
0x53: {  	[hbm4b:s8+s2] =	stream.linear.scatter [tilespmem:s17], [sflag:$0xC], $0x4000, $0x38;
	[tilespmem:$0x1C400] =	vst v63  }
0x54: {  	_ =	swait.ge [sflag:s23], $0x4000  }
0x55: {  	[sflag:s23] =	ssyncset.done $0x0  }
0x56: {  	s1 =	rddreg [dreg:$0xd];
	[sflag:s23] =	ssyncadd.s32 $0xFFFFC000  }
0x57: {  	[hbm4b:s1+s2] =	stream.linear.scatter [tilespmem:s15], [sflag:$0xD], $0x4000, $0x38;
	[tilespmem:$0x1C400] =	vst v63  }
0x58: {  	_ =	swait.ge [sflag:s22], $0x4000  }
0x59: {  	[sflag:s22] =	ssyncset.done $0x0  }
0x5a: {  	s1 =	rddreg [dreg:$0xe];
	[sflag:s22] =	ssyncadd.s32 $0xFFFFC000  }
0x5b: {  	[hbm4b:s1+s2] =	stream.linear.scatter [tilespmem:s13], [sflag:$0xE], $0x4000, $0x38;
	[tilespmem:$0x1C400] =	vst v63  }
0x5c: {  	_ =	swait.ge [sflag:s12], $0x3000  }
0x5d: {  	[sflag:s12] =	ssyncset.done $0x0  }
0x5e: {  	s1 =	rddreg [dreg:$0xf];
	[sflag:s12] =	ssyncadd.s32 $0xFFFFD000  }
0x5f: {  	[hbm4b:s1+s2] =	stream.linear.scatter [tilespmem:s7], [sflag:$0x8], $0x3000, $0x38;
	[tilespmem:$0x1C400] =	vst v63  }
0x60: {  	_ =	swait.ge [sflag:s10], $0x1000  }
0x61: {  	[sflag:s10] =	ssyncset.done $0x0  }
0x62: {  	s1 =	rddreg [dreg:$0x10];
	[sflag:s10] =	ssyncadd.s32 $0xFFFFF000  }
0x63: {  	[hbm4b:s1+s2] =	stream.linear.scatter [tilespmem:s4], [sflag:$0x9], $0x1000, $0x38;
	[tilespmem:$0x1C400] =	vst v63  }
0x64: {  	_ =	swait.ge [sflag:s20], $0x4000  }
0x65: {  	[sflag:s20] =	ssyncset.done $0x0  }
0x66: {  	[sflag:s20] =	ssyncadd.s32 $0xFFFFC000  }
0x67: {  	_ =	swait.ge [sflag:s18], $0x4000  }
0x68: {  	[sflag:s18] =	ssyncset.done $0x0  }
0x69: {  	[sflag:s18] =	ssyncadd.s32 $0xFFFFC000  }
0x6a: {  	_ =	swait.ge [sflag:s16], $0x4000  }
0x6b: {  	[sflag:s16] =	ssyncset.done $0x0  }
0x6c: {  	[sflag:s16] =	ssyncadd.s32 $0xFFFFC000  }
0x6d: {  	_ =	swait.ge [sflag:s14], $0x4000  }
0x6e: {  	[sflag:s14] =	ssyncset.done $0x0  }
0x6f: {  	[sflag:s14] =	ssyncadd.s32 $0xFFFFC000  }
0x70: {  	_ =	swait.ge [sflag:s11], $0x4000  }
0x71: {  	p1 =	sne.s32 s30, $0x1;
	[sflag:s11] =	ssyncset.done $0x0  }
.Ltmp1:
0x72: {  	[sflag:s11] =	ssyncadd.s32 $0xFFFFC000;
	(pc) =	sbr.rel @!p1 .LBB2_2-.Ltmp1, $4  }
0x73: {  	_ =	swait.ge [sflag:s5], $0x3000  }
0x74: {  	[sflag:s5] =	ssyncset.done $0x0  }
0x75: {  	[sflag:s5] =	ssyncadd.s32 $0xFFFFD000  }
0x76: {  	p0 =	por $0x1, $0x1;
	s1 =	sadd.s32 $0xFFFFFFFF, s30;
	_ =	swait.ge [sflag:s6], $0x1000  }
.LBB2_3:
0x77: {  	[sflag:s6] =	ssyncset.done $0x0  }
0x78: {  	s0 =	rddreg [dreg:$0x7];
	[sflag:s6] =	ssyncadd.s32 $0xFFFFF000  }
0x79: {  	[tilespmem:s2], [sflag:$0xF] =	stream.linear.gather [hbm4b:s0+s2], $0x200, $0x38;
	[tilespmem:$0x1C400] =	vst v63  }
0x7a: {  	s30 =	rddreg [dreg:$0x8]  }
0x7b: {  	[tilespmem:s28], [sflag:$0xF] =	stream.linear.gather [hbm4b:s30+s2], $0x200, $0x38;
	[tilespmem:$0x1C400] =	vst v63  }
0x7c: {  	_ =	swait.ge [sflag:s31], $0x200  }
0x7d: {  	[sflag:s31] =	ssyncset.done $0x0  }
0x7e: {  	[sflag:s31] =	ssyncadd.s32 $0xFFFFFE00  }
0x7f: {  	_ =	swait.ge [sflag:s31], $0x200  }
0x80: {  	[sflag:s31] =	ssyncset.done $0x0  }
0x81: {  	[sflag:s31] =	ssyncadd.s32 $0xFFFFFE00  }
0x82: {  	[tilespmem:s7], [sflag:$0x1] =	stream.indirect.gather [hbm4b:s9+s26], $0x80, s2, s26, $0xb8;
	[tilespmem:$0x1C400] =	vst v63  }
0x83: {  	_ = 	snop  }
0x84: {  	[tilespmem:s4], [sflag:$0x2] =	stream.indirect.gather [hbm4b:s9+s26], $0x80, s26, s26, $0xb8;
	[tilespmem:$0x1C400] =	vst v63  }
0x85: {  	s0 =	rddreg [dreg:$0x11]  }
0x86: {  	[tilespmem:s21], [sflag:$0x3] =	stream.indirect.gather [hbm4b:s9+s26], $0x80, s0, s26, $0xb8;
	[tilespmem:$0x1C400] =	vst v63  }
0x87: {  	s30 =	rddreg [dreg:$0x12]  }
0x88: {  	[tilespmem:s19], [sflag:$0x4] =	stream.indirect.gather [hbm4b:s9+s26], $0x80, s30, s26, $0xb8;
	[tilespmem:$0x1C400] =	vst v63  }
0x89: {  	_ = 	snop  }
0x8a: {  	[tilespmem:s17], [sflag:$0x5] =	stream.indirect.gather [hbm4b:s3+s26], $0x80, s28, s26, $0xb8;
	[tilespmem:$0x1C400] =	vst v63  }
0x8b: {  	s0 =	rddreg [dreg:$0x13]  }
0x8c: {  	[tilespmem:s15], [sflag:$0x6] =	stream.indirect.gather [hbm4b:s3+s26], $0x80, s0, s26, $0xb8;
	[tilespmem:$0x1C400] =	vst v63  }
0x8d: {  	s30 =	rddreg [dreg:$0x14]  }
0x8e: {  	[tilespmem:s13], [sflag:$0x7] =	stream.indirect.gather [hbm4b:s3+s26], $0x80, s30, s26, $0xb8;
	[tilespmem:$0x1C400] =	vst v63  }
0x8f: {  	_ =	swait.ge [sflag:s12], $0x4000  }
0x90: {  	[sflag:s12] =	ssyncset.done $0x0  }
0x91: {  	s30 =	rddreg [dreg:$0x9];
	[sflag:s12] =	ssyncadd.s32 $0xFFFFC000  }
0x92: {  	[hbm4b:s30+s2] =	stream.linear.scatter [tilespmem:s7], [sflag:$0x8], $0x4000, $0x38;
	[tilespmem:$0x1C400] =	vst v63  }
0x93: {  	_ =	swait.ge [sflag:s5], $0x4000  }
0x94: {  	s0 =	rddreg [dreg:$0x15];
	[sflag:s5] =	ssyncset.done $0x0  }
0x95: {  	s30 =	rddreg [dreg:$0x16];
	[sflag:s5] =	ssyncadd.s32 $0xFFFFC000  }
0x96: {  	[tilespmem:s7], [sflag:$0x1] =	stream.indirect.gather [hbm4b:s3+s0], $0x80, s30, s0, $0xb8;
	[tilespmem:$0x1C400] =	vst v63  }
0x97: {  	_ =	swait.ge [sflag:s10], $0x4000  }
0x98: {  	[sflag:s10] =	ssyncset.done $0x0  }
0x99: {  	s30 =	rddreg [dreg:$0xa];
	[sflag:s10] =	ssyncadd.s32 $0xFFFFC000  }
0x9a: {  	[hbm4b:s30+s2] =	stream.linear.scatter [tilespmem:s4], [sflag:$0x9], $0x4000, $0x38;
	[tilespmem:$0x1C400] =	vst v63  }
0x9b: {  	_ =	swait.ge [sflag:s6], $0x4000  }
0x9c: {  	[sflag:s6] =	ssyncset.done $0x0  }
0x9d: {  	s30 =	simm.s32 $0x3E0;
	s0 =	rddreg [dreg:$0x17];
	[sflag:s6] =	ssyncadd.s32 $0xFFFFC000  }
0x9e: {  	[tilespmem:s4], [sflag:$0x2] =	stream.indirect.gather [hbm4b:s3+s0], $0x80, s30, s0, $0xb8;
	[tilespmem:$0x1C400] =	vst v63  }
0x9f: {  	_ =	swait.ge [sflag:s29], $0x4000  }
0xa0: {  	[sflag:s29] =	ssyncset.done $0x0  }
0xa1: {  	s30 =	rddreg [dreg:$0xb];
	[sflag:s29] =	ssyncadd.s32 $0xFFFFC000  }
0xa2: {  	[hbm4b:s30+s2] =	stream.linear.scatter [tilespmem:s21], [sflag:$0xA], $0x4000, $0x38;
	[tilespmem:$0x1C400] =	vst v63  }
0xa3: {  	_ =	swait.ge [sflag:s25], $0x4000  }
0xa4: {  	[sflag:s25] =	ssyncset.done $0x0  }
0xa5: {  	s30 =	rddreg [dreg:$0xc];
	[sflag:s25] =	ssyncadd.s32 $0xFFFFC000  }
0xa6: {  	[hbm4b:s30+s2] =	stream.linear.scatter [tilespmem:s19], [sflag:$0xB], $0x4000, $0x38;
	[tilespmem:$0x1C400] =	vst v63  }
0xa7: {  	_ =	swait.ge [sflag:s24], $0x4000  }
0xa8: {  	[sflag:s24] =	ssyncset.done $0x0  }
0xa9: {  	[sflag:s24] =	ssyncadd.s32 $0xFFFFC000  }
0xaa: {  	[hbm4b:s8+s2] =	stream.linear.scatter [tilespmem:s17], [sflag:$0xC], $0x4000, $0x38;
	[tilespmem:$0x1C400] =	vst v63  }
0xab: {  	_ =	swait.ge [sflag:s23], $0x4000  }
0xac: {  	[sflag:s23] =	ssyncset.done $0x0  }
0xad: {  	s30 =	rddreg [dreg:$0xd];
	[sflag:s23] =	ssyncadd.s32 $0xFFFFC000  }
0xae: {  	[hbm4b:s30+s2] =	stream.linear.scatter [tilespmem:s15], [sflag:$0xD], $0x4000, $0x38;
	[tilespmem:$0x1C400] =	vst v63  }
0xaf: {  	_ =	swait.ge [sflag:s22], $0x4000  }
0xb0: {  	[sflag:s22] =	ssyncset.done $0x0  }
0xb1: {  	s30 =	rddreg [dreg:$0xe];
	[sflag:s22] =	ssyncadd.s32 $0xFFFFC000  }
0xb2: {  	[hbm4b:s30+s2] =	stream.linear.scatter [tilespmem:s13], [sflag:$0xE], $0x4000, $0x38;
	[tilespmem:$0x1C400] =	vst v63  }
0xb3: {  	_ =	swait.ge [sflag:s12], $0x3000  }
0xb4: {  	[sflag:s12] =	ssyncset.done $0x0  }
0xb5: {  	s30 =	rddreg [dreg:$0xf];
	[sflag:s12] =	ssyncadd.s32 $0xFFFFD000  }
0xb6: {  	[hbm4b:s30+s2] =	stream.linear.scatter [tilespmem:s7], [sflag:$0x8], $0x3000, $0x38;
	[tilespmem:$0x1C400] =	vst v63  }
0xb7: {  	_ =	swait.ge [sflag:s10], $0x1000  }
0xb8: {  	[sflag:s10] =	ssyncset.done $0x0  }
0xb9: {  	s30 =	rddreg [dreg:$0x10];
	[sflag:s10] =	ssyncadd.s32 $0xFFFFF000  }
0xba: {  	[hbm4b:s30+s2] =	stream.linear.scatter [tilespmem:s4], [sflag:$0x9], $0x1000, $0x38;
	[tilespmem:$0x1C400] =	vst v63  }
0xbb: {  	_ =	swait.ge [sflag:s20], $0x4000  }
0xbc: {  	[sflag:s20] =	ssyncset.done $0x0  }
0xbd: {  	[sflag:s20] =	ssyncadd.s32 $0xFFFFC000  }
0xbe: {  	_ =	swait.ge [sflag:s18], $0x4000  }
0xbf: {  	[sflag:s18] =	ssyncset.done $0x0  }
0xc0: {  	[sflag:s18] =	ssyncadd.s32 $0xFFFFC000  }
0xc1: {  	_ =	swait.ge [sflag:s16], $0x4000  }
0xc2: {  	[sflag:s16] =	ssyncset.done $0x0  }
0xc3: {  	[sflag:s16] =	ssyncadd.s32 $0xFFFFC000  }
0xc4: {  	_ =	swait.ge [sflag:s14], $0x4000  }
0xc5: {  	[sflag:s14] =	ssyncset.done $0x0  }
0xc6: {  	[sflag:s14] =	ssyncadd.s32 $0xFFFFC000  }
0xc7: {  	_ =	swait.ge [sflag:s11], $0x4000  }
0xc8: {  	p1 =	sne.s32 s1, $0x1;
	[sflag:s11] =	ssyncset.done $0x0  }
.Ltmp2:
0xc9: {  	[sflag:s11] =	ssyncadd.s32 $0xFFFFC000;
	(pc) =	sbr.rel @p1 .LBB2_3-.Ltmp2, $4  }
0xca: {  	_ =	swait.ge [sflag:s5], $0x3000  }
0xcb: {  	[sflag:s5] =	ssyncset.done $0x0  }
0xcc: {  	[sflag:s5] =	ssyncadd.s32 $0xFFFFD000  }
0xcd: {  	s1 =	sadd.s32 $0xFFFFFFFF, s1;
	_ =	swait.ge [sflag:s6], $0x1000  }
0xce: {  	s30 =	stileid.u32  }
.LBB2_5:
0xcf: {  	[sflag:s6] =	ssyncset.done @p0 $0x0  }
0xd0: {  	s0 =	rddreg [dreg:$0x7];
	[sflag:s6] =	ssyncadd.s32 @p0 $0xFFFFF000  }
0xd1: {  	[tilespmem:s2], [sflag:$0xF] =	stream.linear.gather [hbm4b:s0+s2], $0x200, $0x38;
	[tilespmem:$0x1C400] =	vst v63  }
0xd2: {  	s1 =	rddreg [dreg:$0x8]  }
0xd3: {  	[tilespmem:s28], [sflag:$0xF] =	stream.linear.gather [hbm4b:s1+s2], $0x200, $0x38;
	[tilespmem:$0x1C400] =	vst v63  }
0xd4: {  	_ =	swait.ge [sflag:s31], $0x200  }
0xd5: {  	[sflag:s31] =	ssyncset.done $0x0  }
0xd6: {  	[sflag:s31] =	ssyncadd.s32 $0xFFFFFE00  }
0xd7: {  	_ =	swait.ge [sflag:s31], $0x200  }
0xd8: {  	[sflag:s31] =	ssyncset.done $0x0  }
0xd9: {  	[sflag:s31] =	ssyncadd.s32 $0xFFFFFE00  }
0xda: {  	[tilespmem:s7], [sflag:$0x1] =	stream.indirect.gather [hbm4b:s9+s26], $0x80, s2, s26, $0xb8;
	[tilespmem:$0x1C400] =	vst v63  }
0xdb: {  	_ = 	snop  }
0xdc: {  	[tilespmem:s4], [sflag:$0x2] =	stream.indirect.gather [hbm4b:s9+s26], $0x80, s26, s26, $0xb8;
	[tilespmem:$0x1C400] =	vst v63  }
0xdd: {  	s1 =	rddreg [dreg:$0x11]  }
0xde: {  	[tilespmem:s21], [sflag:$0x3] =	stream.indirect.gather [hbm4b:s9+s26], $0x80, s1, s26, $0xb8;
	[tilespmem:$0x1C400] =	vst v63  }
0xdf: {  	s31 =	rddreg [dreg:$0x12]  }
0xe0: {  	[tilespmem:s19], [sflag:$0x4] =	stream.indirect.gather [hbm4b:s9+s26], $0x80, s31, s26, $0xb8;
	[tilespmem:$0x1C400] =	vst v63  }
0xe1: {  	_ = 	snop  }
0xe2: {  	[tilespmem:s17], [sflag:$0x5] =	stream.indirect.gather [hbm4b:s3+s26], $0x80, s28, s26, $0xb8;
	[tilespmem:$0x1C400] =	vst v63  }
0xe3: {  	s9 =	rddreg [dreg:$0x13]  }
0xe4: {  	[tilespmem:s15], [sflag:$0x6] =	stream.indirect.gather [hbm4b:s3+s26], $0x80, s9, s26, $0xb8;
	[tilespmem:$0x1C400] =	vst v63  }
0xe5: {  	s28 =	rddreg [dreg:$0x14]  }
0xe6: {  	[tilespmem:s13], [sflag:$0x7] =	stream.indirect.gather [hbm4b:s3+s26], $0x80, s28, s26, $0xb8;
	[tilespmem:$0x1C400] =	vst v63  }
0xe7: {  	_ =	swait.ge [sflag:s12], $0x4000  }
0xe8: {  	[sflag:s12] =	ssyncset.done $0x0  }
0xe9: {  	s31 =	rddreg [dreg:$0x9];
	[sflag:s12] =	ssyncadd.s32 $0xFFFFC000  }
0xea: {  	[hbm4b:s31+s2] =	stream.linear.scatter [tilespmem:s7], [sflag:$0x8], $0x4000, $0x38;
	[tilespmem:$0x1C400] =	vst v63  }
0xeb: {  	_ =	swait.ge [sflag:s5], $0x4000  }
0xec: {  	s1 =	rddreg [dreg:$0x15];
	[sflag:s5] =	ssyncset.done $0x0  }
0xed: {  	s9 =	rddreg [dreg:$0x16];
	[sflag:s5] =	ssyncadd.s32 $0xFFFFC000  }
0xee: {  	[tilespmem:s7], [sflag:$0x1] =	stream.indirect.gather [hbm4b:s3+s1], $0x80, s9, s1, $0xb8;
	[tilespmem:$0x1C400] =	vst v63  }
0xef: {  	_ =	swait.ge [sflag:s10], $0x4000  }
0xf0: {  	[sflag:s10] =	ssyncset.done $0x0  }
0xf1: {  	s26 =	rddreg [dreg:$0xa];
	[sflag:s10] =	ssyncadd.s32 $0xFFFFC000  }
0xf2: {  	[hbm4b:s26+s2] =	stream.linear.scatter [tilespmem:s4], [sflag:$0x9], $0x4000, $0x38;
	[tilespmem:$0x1C400] =	vst v63  }
0xf3: {  	_ =	swait.ge [sflag:s6], $0x4000  }
0xf4: {  	[sflag:s6] =	ssyncset.done $0x0  }
0xf5: {  	s31 =	simm.s32 $0x3E0;
	s28 =	rddreg [dreg:$0x17];
	[sflag:s6] =	ssyncadd.s32 $0xFFFFC000  }
0xf6: {  	[tilespmem:s4], [sflag:$0x2] =	stream.indirect.gather [hbm4b:s3+s28], $0x80, s31, s28, $0xb8;
	[tilespmem:$0x1C400] =	vst v63  }
0xf7: {  	_ =	swait.ge [sflag:s29], $0x4000  }
0xf8: {  	[sflag:s29] =	ssyncset.done $0x0  }
0xf9: {  	s9 =	rddreg [dreg:$0xb];
	[sflag:s29] =	ssyncadd.s32 $0xFFFFC000  }
0xfa: {  	[hbm4b:s9+s2] =	stream.linear.scatter [tilespmem:s21], [sflag:$0xA], $0x4000, $0x38;
	[tilespmem:$0x1C400] =	vst v63  }
0xfb: {  	_ =	swait.ge [sflag:s25], $0x4000  }
0xfc: {  	[sflag:s25] =	ssyncset.done $0x0  }
0xfd: {  	s21 =	rddreg [dreg:$0xc];
	[sflag:s25] =	ssyncadd.s32 $0xFFFFC000  }
0xfe: {  	[hbm4b:s21+s2] =	stream.linear.scatter [tilespmem:s19], [sflag:$0xB], $0x4000, $0x38;
	[tilespmem:$0x1C400] =	vst v63  }
0xff: {  	_ =	swait.ge [sflag:s24], $0x4000  }
0x100: {  	[sflag:s24] =	ssyncset.done $0x0  }
0x101: {  	[sflag:s24] =	ssyncadd.s32 $0xFFFFC000  }
0x102: {  	[hbm4b:s8+s2] =	stream.linear.scatter [tilespmem:s17], [sflag:$0xC], $0x4000, $0x38;
	[tilespmem:$0x1C400] =	vst v63  }
0x103: {  	_ =	swait.ge [sflag:s23], $0x4000  }
0x104: {  	[sflag:s23] =	ssyncset.done $0x0  }
0x105: {  	s26 =	rddreg [dreg:$0xd];
	[sflag:s23] =	ssyncadd.s32 $0xFFFFC000  }
0x106: {  	[hbm4b:s26+s2] =	stream.linear.scatter [tilespmem:s15], [sflag:$0xD], $0x4000, $0x38;
	[tilespmem:$0x1C400] =	vst v63  }
0x107: {  	_ =	swait.ge [sflag:s22], $0x4000  }
0x108: {  	[sflag:s22] =	ssyncset.done $0x0  }
0x109: {  	s28 =	rddreg [dreg:$0xe];
	[sflag:s22] =	ssyncadd.s32 $0xFFFFC000  }
0x10a: {  	[hbm4b:s28+s2] =	stream.linear.scatter [tilespmem:s13], [sflag:$0xE], $0x4000, $0x38;
	[tilespmem:$0x1C400] =	vst v63  }
0x10b: {  	_ =	swait.ge [sflag:s12], $0x3000  }
0x10c: {  	[sflag:s12] =	ssyncset.done $0x0  }
0x10d: {  	s29 =	rddreg [dreg:$0xf];
	[sflag:s12] =	ssyncadd.s32 $0xFFFFD000  }
0x10e: {  	[hbm4b:s29+s2] =	stream.linear.scatter [tilespmem:s7], [sflag:$0x8], $0x3000, $0x38;
	[tilespmem:$0x1C400] =	vst v63  }
0x10f: {  	_ =	swait.ge [sflag:s10], $0x1000  }
0x110: {  	[sflag:s10] =	ssyncset.done $0x0  }
0x111: {  	s31 =	rddreg [dreg:$0x10];
	[sflag:s10] =	ssyncadd.s32 $0xFFFFF000  }
0x112: {  	[hbm4b:s31+s2] =	stream.linear.scatter [tilespmem:s4], [sflag:$0x9], $0x1000, $0x38;
	[tilespmem:$0x1C400] =	vst v63  }
0x113: {  	_ =	swait.ge [sflag:s20], $0x4000  }
0x114: {  	[sflag:s20] =	ssyncset.done $0x0  }
0x115: {  	[sflag:s20] =	ssyncadd.s32 $0xFFFFC000  }
0x116: {  	_ =	swait.ge [sflag:s18], $0x4000  }
0x117: {  	[sflag:s18] =	ssyncset.done $0x0  }
0x118: {  	[sflag:s18] =	ssyncadd.s32 $0xFFFFC000  }
0x119: {  	_ =	swait.ge [sflag:s16], $0x4000  }
0x11a: {  	[sflag:s16] =	ssyncset.done $0x0  }
0x11b: {  	[sflag:s16] =	ssyncadd.s32 $0xFFFFC000  }
0x11c: {  	_ =	swait.ge [sflag:s14], $0x4000  }
0x11d: {  	[sflag:s14] =	ssyncset.done $0x0  }
0x11e: {  	[sflag:s14] =	ssyncadd.s32 $0xFFFFC000  }
0x11f: {  	_ =	swait.ge [sflag:s11], $0x4000  }
0x120: {  	[sflag:s11] =	ssyncset.done $0x0  }
0x121: {  	[sflag:s11] =	ssyncadd.s32 $0xFFFFC000  }
0x122: {  	_ =	swait.ge [sflag:s5], $0x3000  }
0x123: {  	[sflag:s5] =	ssyncset.done $0x0  }
0x124: {  	[sflag:s5] =	ssyncadd.s32 $0xFFFFD000  }
0x125: {  	_ =	swait.ge [sflag:s6], $0x1000  }
0x126: {  	[sflag:s6] =	ssyncset.done $0x0  }
0x127: {  	[sflag:s6] =	ssyncadd.s32 $0xFFFFF000  }
0x128: {  	_ =	sfence.sel $0x180000  }
0x129: {  	[bflag:$0x0] =	sbarrier.arrive $0xFFFF  }
0x12a: {  	_ =	strace $0x90000047  }
0x12b: {  	[bflag:$0x2] =	sbarrier.arrive $0xFFFF  }
0x12c: {  	p0 =	sne.s32 s30, $0x0;
	s0 =	rddreg [dreg:$0x6]  }
0x12d: {  	s0 =	sadd.s32 @!p0 $0x100000, s0  }
0x12e: {  	[sflag:s0] =	ssyncadd.tile.s32 @!p0 $0x1;
	_ =	shalt  }
.LBB2_2:
.Ltmp3:
0x12f: {  	(pc) =	sbr.rel .LBB2_5-.Ltmp3, $2  }
0x130: {  	_ =	sdelay $0x2  }
0x131: {  	s30 =	stileid.u32  }
.Lfunc_end2:
_tile_overlayer_lowered:
.L_overlay_start_2:
0x132: {  	(tag) =	ssettag $0x2  }
0x133: {  	s0 =	rddreg [dreg:$0x0];
	s2 =	stileid.u32  }
0x134: {  	s1 =	rddreg [dreg:$0x1];
	p0 =	sne.s32 s2, $0x0  }
0x135: {  	s3 =	rddreg [dreg:$0x2];
	[bflag:$0x3] =	sbarrier.arrive $0xFFFF;
	s2 =	simm.s32 @!p0 $0x1C10  }
0x136: {  	[timem:s3], [sflag:s2] =	dma.local @!p0 [hbm:s0], s1  }
0x137: {  	s0 =	simm.s32 @!p0 $0x10  }
0x138: {  	_ =	swait.ge @!p0 [sflag:s0], s1  }
0x139: {  	s1 =	ssub.s32 @!p0 $0x0, s1;
	[sflag:s0] =	ssyncset.done @!p0 $0x0  }
0x13a: {  	[sflag:s0] =	ssyncadd.s32 @!p0 s1  }
0x13b: {  	[bflag:$0x3] =	sbarrier.arrive $0xFFFF  }
0x13c: {  	_ =	shalt  }

</sc_bundles>
